<compile_context>
chip_gen: v7x
topology: tpu7x:2x2x1
jax: 0.10.2.dev20260603
libtpu: 0.0.44.dev20260713+nightly
codegen_flags: <defaults>
</compile_context>

<pallas_src>
import jax
import jax.numpy as jnp
from jax import lax
from jax.experimental import pallas as pl
from jax.experimental.pallas import tpu as pltpu
from jax.experimental.pallas import tpu_sc as plsc

_W = 4
_NUM_TILES = 32
_CHUNK = 16
_NBUF = 3
_AHEAD = 2


def _copy_body(x_hbm, out_hbm, b0, b1, b2, i0, i1, i2, isems, osems):
    bufs = (b0, b1, b2)
    idxs = (i0, i1, i2)
    wid = lax.axis_index("s") * 2 + lax.axis_index("c")
    rows = out_hbm.shape[0] // _NUM_TILES
    base = wid * rows
    nch = rows // _CHUNK
    lane = lax.iota(jnp.int32, 16)

    def cin(i):
        return pltpu.make_async_copy(
            x_hbm.at[idxs[i % _NBUF]], bufs[i % _NBUF],
            isems.at[i % _NBUF])

    def start_in(i):
        idxs[i % _NBUF][...] = (base + i * _CHUNK) * _W + lane * _W
        cin(i).start()

    def cout(i):
        return pltpu.make_async_copy(
            bufs[i % _NBUF],
            out_hbm.at[pl.ds(base + i * _CHUNK, _CHUNK)],
            osems.at[i % _NBUF])

    for j in range(_AHEAD):
        start_in(j)
    for i in range(nch):
        if i + _AHEAD < nch:
            if i + _AHEAD >= _NBUF:
                cout(i + _AHEAD - _NBUF).wait()
            start_in(i + _AHEAD)
        cin(i).wait()
        cout(i).start()
    for i in range(nch - _NBUF, nch):
        cout(i).wait()


def kernel(x):
    b, s, d = x.shape
    h = s // _W
    xt = x.reshape(b * s, d)
    mesh = plsc.VectorSubcoreMesh(core_axis_name="c", subcore_axis_name="s")
    out = pl.kernel(
        _copy_body,
        out_type=jax.ShapeDtypeStruct((b * h, d), x.dtype),
        mesh=mesh,
        scratch_types=[
            pltpu.VMEM((_CHUNK, d), x.dtype),
            pltpu.VMEM((_CHUNK, d), x.dtype),
            pltpu.VMEM((_CHUNK, d), x.dtype),
            pltpu.VMEM((_CHUNK,), jnp.int32),
            pltpu.VMEM((_CHUNK,), jnp.int32),
            pltpu.VMEM((_CHUNK,), jnp.int32),
            pltpu.SemaphoreType.DMA((_NBUF,)),
            pltpu.SemaphoreType.DMA((_NBUF,)),
        ],
    )(xt)
    return out.reshape(b, h, d)

# --- scband reference (transcript-rebuilt; emitter-appended) ---
"""Pipeline reference for scband-downsample-25975962206666 (READ-ONLY COPY).

The authoritative reference and input builder live on the scoring server;
editing this copy changes nothing except your own understanding.
"""

import jax, jax.numpy as jnp
import numpy as np

WINDOW_SIZE = 4

def setup_inputs(seed: int = 0) -> dict:
    key = jax.random.key(seed)
    x = jax.random.normal(key, (4, 4096, 2048), dtype=jnp.float32)
    return {"x": x}

def reference(x):
    seq_len = x.shape[1]
    w = int(WINDOW_SIZE)
    idx = jnp.arange(0, seq_len, w)
    return jnp.take(x, idx, axis=1)

if __name__ == "__main__":
    import jax
    _d = setup_inputs()
    print(jax.jit(kernel)(*tuple(_d.values())))

</pallas_src>

<mosaic_0001>
#map = affine_map<(d0, d1) -> (0, 0)>
module attributes {stable_mosaic.version = 14 : i64} {
  func.func @_copy_body(%arg0: i32, %arg1: i32, %arg2: memref<16384x2048xf32, #tpu.memory_space<hbm>>, %arg3: memref<4096x2048xf32, #tpu.memory_space<hbm>>, %arg4: memref<16x2048xf32, #tpu.memory_space<vmem>>, %arg5: memref<16x2048xf32, #tpu.memory_space<vmem>>, %arg6: memref<16x2048xf32, #tpu.memory_space<vmem>>, %arg7: memref<16xi32, #tpu.memory_space<vmem>>, %arg8: memref<16xi32, #tpu.memory_space<vmem>>, %arg9: memref<16xi32, #tpu.memory_space<vmem>>, %arg10: memref<3x!tpu.dma_semaphore, #tpu.memory_space<semaphore_mem>>, %arg11: memref<3x!tpu.dma_semaphore, #tpu.memory_space<semaphore_mem>>) attributes {dimension_semantics = [#tpu.dimension_semantics<core_parallel>, #tpu.dimension_semantics<subcore_parallel>], iteration_bounds = array<i64: 2, 16>, scalar_prefetch = 0 : i64, scratch_operands = 8 : i64, tpu.core_type = #tpu.core_type<sc_vector_subcore>, window_params = [{transform_indices = #map}, {transform_indices = #map}]} {
    %mul3A = arith.constant 2 : i32
    %mul3A_0 = arith.muli %arg1, %mul3A : i32
    %add3A = arith.addi %mul3A_0, %arg0 : i32
    %mul3A_1 = arith.constant 128 : i32
    %mul3A_2 = arith.muli %add3A, %mul3A_1 : i32
    %iota3A = tpu.iota {dimensions = array<i32: 0>} : vector<16xi32>
    %add3A_3 = arith.constant 0 : i32
    %add3A_4 = arith.addi %mul3A_2, %add3A_3 : i32
    %mul3A_5 = arith.constant 4 : i32
    %mul3A_6 = arith.muli %add3A_4, %mul3A_5 : i32
    %mul3A_7 = arith.constant 4 : i32
    %mul3A_8 = vector.broadcast %mul3A_7 : i32 to vector<16xi32>
    %mul3A_9 = arith.muli %iota3A, %mul3A_8 : vector<16xi32>
    %add3A_10 = vector.broadcast %mul3A_6 : i32 to vector<16xi32>
    %add3A_11 = arith.addi %add3A_10, %mul3A_9 : vector<16xi32>
    %swap3A = arith.constant 0 : index
    %swap3A_12 = tpu.vector_load %arg7[%swap3A] {strides = array<i32>} : memref<16xi32, #tpu.memory_space<vmem>>, vector<16xi32>,
    %swap3A_13 = vector.shape_cast %swap3A_12 : vector<16xi32> to vector<16xi32>
    %swap3A_14 = vector.shape_cast %add3A_11 : vector<16xi32> to vector<16xi32>
    tpu.vector_store %arg7[%swap3A], %swap3A_14 {strides = array<i32>} : memref<16xi32, #tpu.memory_space<vmem>>, vector<16xi32>,
    %dma_start3A = arith.constant 0 : i32
    %dma_start3A_15 = arith.constant 0 : i32
    %dma_start3A_16 = arith.constant 0 : i32
    %dma_start3A_17 = tpu.memref_slice %arg2[%dma_start3A_15, %dma_start3A_16] : memref<16384x2048xf32, #tpu.memory_space<hbm>> -> memref<16384x2048xf32, #tpu.memory_space<hbm>>
    %dma_start3A_18 = tpu.memref_slice %arg10[%dma_start3A] : memref<3x!tpu.dma_semaphore, #tpu.memory_space<semaphore_mem>> -> memref<1x!tpu.dma_semaphore, #tpu.memory_space<semaphore_mem>>
    %dma_start3A_19 = tpu.memref_squeeze %dma_start3A_18 : memref<1x!tpu.dma_semaphore, #tpu.memory_space<semaphore_mem>> -> memref<!tpu.dma_semaphore, #tpu.memory_space<semaphore_mem>>
    tpu.enqueue_indirect_dma source(%dma_start3A_17 : memref<16384x2048xf32, #tpu.memory_space<hbm>>) target(%arg4 : memref<16x2048xf32, #tpu.memory_space<vmem>>) offsets(%arg7 : memref<16xi32, #tpu.memory_space<vmem>>) semaphore(%dma_start3A_19 : memref<!tpu.dma_semaphore, #tpu.memory_space<semaphore_mem>>)
    %add3A_20 = arith.constant 16 : i32
    %add3A_21 = arith.addi %mul3A_2, %add3A_20 : i32
    %mul3A_22 = arith.constant 4 : i32
    %mul3A_23 = arith.muli %add3A_21, %mul3A_22 : i32
    %mul3A_24 = arith.constant 4 : i32
    %mul3A_25 = vector.broadcast %mul3A_24 : i32 to vector<16xi32>
    %mul3A_26 = arith.muli %iota3A, %mul3A_25 : vector<16xi32>
    %add3A_27 = vector.broadcast %mul3A_23 : i32 to vector<16xi32>
    %add3A_28 = arith.addi %add3A_27, %mul3A_26 : vector<16xi32>
    %swap3A_29 = arith.constant 0 : index
    %swap3A_30 = tpu.vector_load %arg8[%swap3A_29] {strides = array<i32>} : memref<16xi32, #tpu.memory_space<vmem>>, vector<16xi32>,
    %swap3A_31 = vector.shape_cast %swap3A_30 : vector<16xi32> to vector<16xi32>
    %swap3A_32 = vector.shape_cast %add3A_28 : vector<16xi32> to vector<16xi32>
    tpu.vector_store %arg8[%swap3A_29], %swap3A_32 {strides = array<i32>} : memref<16xi32, #tpu.memory_space<vmem>>, vector<16xi32>,
    %dma_start3A_33 = arith.constant 1 : i32
    %dma_start3A_34 = arith.constant 0 : i32
    %dma_start3A_35 = arith.constant 0 : i32
    %dma_start3A_36 = tpu.memref_slice %arg2[%dma_start3A_34, %dma_start3A_35] : memref<16384x2048xf32, #tpu.memory_space<hbm>> -> memref<16384x2048xf32, #tpu.memory_space<hbm>>
    %dma_start3A_37 = tpu.memref_slice %arg10[%dma_start3A_33] : memref<3x!tpu.dma_semaphore, #tpu.memory_space<semaphore_mem>> -> memref<1x!tpu.dma_semaphore, #tpu.memory_space<semaphore_mem>>
    %dma_start3A_38 = tpu.memref_squeeze %dma_start3A_37 : memref<1x!tpu.dma_semaphore, #tpu.memory_space<semaphore_mem>> -> memref<!tpu.dma_semaphore, #tpu.memory_space<semaphore_mem>>
    tpu.enqueue_indirect_dma source(%dma_start3A_36 : memref<16384x2048xf32, #tpu.memory_space<hbm>>) target(%arg5 : memref<16x2048xf32, #tpu.memory_space<vmem>>) offsets(%arg8 : memref<16xi32, #tpu.memory_space<vmem>>) semaphore(%dma_start3A_38 : memref<!tpu.dma_semaphore, #tpu.memory_space<semaphore_mem>>)
    %add3A_39 = arith.constant 32 : i32
    %add3A_40 = arith.addi %mul3A_2, %add3A_39 : i32
    %mul3A_41 = arith.constant 4 : i32
    %mul3A_42 = arith.muli %add3A_40, %mul3A_41 : i32
    %mul3A_43 = arith.constant 4 : i32
    %mul3A_44 = vector.broadcast %mul3A_43 : i32 to vector<16xi32>
    %mul3A_45 = arith.muli %iota3A, %mul3A_44 : vector<16xi32>
    %add3A_46 = vector.broadcast %mul3A_42 : i32 to vector<16xi32>
    %add3A_47 = arith.addi %add3A_46, %mul3A_45 : vector<16xi32>
    %swap3A_48 = arith.constant 0 : index
    %swap3A_49 = tpu.vector_load %arg9[%swap3A_48] {strides = array<i32>} : memref<16xi32, #tpu.memory_space<vmem>>, vector<16xi32>,
    %swap3A_50 = vector.shape_cast %swap3A_49 : vector<16xi32> to vector<16xi32>
    %swap3A_51 = vector.shape_cast %add3A_47 : vector<16xi32> to vector<16xi32>
    tpu.vector_store %arg9[%swap3A_48], %swap3A_51 {strides = array<i32>} : memref<16xi32, #tpu.memory_space<vmem>>, vector<16xi32>,
    %dma_start3A_52 = arith.constant 2 : i32
    %dma_start3A_53 = arith.constant 0 : i32
    %dma_start3A_54 = arith.constant 0 : i32
    %dma_start3A_55 = tpu.memref_slice %arg2[%dma_start3A_53, %dma_start3A_54] : memref<16384x2048xf32, #tpu.memory_space<hbm>> -> memref<16384x2048xf32, #tpu.memory_space<hbm>>
    %dma_start3A_56 = tpu.memref_slice %arg10[%dma_start3A_52] : memref<3x!tpu.dma_semaphore, #tpu.memory_space<semaphore_mem>> -> memref<1x!tpu.dma_semaphore, #tpu.memory_space<semaphore_mem>>
    %dma_start3A_57 = tpu.memref_squeeze %dma_start3A_56 : memref<1x!tpu.dma_semaphore, #tpu.memory_space<semaphore_mem>> -> memref<!tpu.dma_semaphore, #tpu.memory_space<semaphore_mem>>
    tpu.enqueue_indirect_dma source(%dma_start3A_55 : memref<16384x2048xf32, #tpu.memory_space<hbm>>) target(%arg6 : memref<16x2048xf32, #tpu.memory_space<vmem>>) offsets(%arg9 : memref<16xi32, #tpu.memory_space<vmem>>) semaphore(%dma_start3A_57 : memref<!tpu.dma_semaphore, #tpu.memory_space<semaphore_mem>>)
    %dma_wait3A = arith.constant 0 : i32
    %dma_wait3A_58 = arith.constant 0 : i32
    %dma_wait3A_59 = arith.constant 0 : i32
    %dma_wait3A_60 = tpu.memref_slice %arg2[%dma_wait3A_58, %dma_wait3A_59] : memref<16384x2048xf32, #tpu.memory_space<hbm>> -> memref<16384x2048xf32, #tpu.memory_space<hbm>>
    %dma_wait3A_61 = tpu.memref_slice %arg10[%dma_wait3A] : memref<3x!tpu.dma_semaphore, #tpu.memory_space<semaphore_mem>> -> memref<1x!tpu.dma_semaphore, #tpu.memory_space<semaphore_mem>>
    %dma_wait3A_62 = tpu.memref_squeeze %dma_wait3A_61 : memref<1x!tpu.dma_semaphore, #tpu.memory_space<semaphore_mem>> -> memref<!tpu.dma_semaphore, #tpu.memory_space<semaphore_mem>>
    tpu.wait_indirect_dma semaphore(%dma_wait3A_62 : memref<!tpu.dma_semaphore, #tpu.memory_space<semaphore_mem>>) src(%dma_wait3A_60 : memref<16384x2048xf32, #tpu.memory_space<hbm>>) dst(%arg4 : memref<16x2048xf32, #tpu.memory_space<vmem>>)
    %add3A_63 = arith.constant 0 : i32
    %add3A_64 = arith.addi %mul3A_2, %add3A_63 : i32
    %dma_start3A_65 = arith.constant 0 : i32
    %dma_start3A_66 = arith.constant 0 : i32
    %dma_start3A_67 = tpu.memref_slice %arg3[%add3A_64, %dma_start3A_66] : memref<4096x2048xf32, #tpu.memory_space<hbm>> -> memref<16x2048xf32, #tpu.memory_space<hbm>>
    %dma_start3A_68 = tpu.memref_slice %arg11[%dma_start3A_65] : memref<3x!tpu.dma_semaphore, #tpu.memory_space<semaphore_mem>> -> memref<1x!tpu.dma_semaphore, #tpu.memory_space<semaphore_mem>>
    %dma_start3A_69 = tpu.memref_squeeze %dma_start3A_68 : memref<1x!tpu.dma_semaphore, #tpu.memory_space<semaphore_mem>> -> memref<!tpu.dma_semaphore, #tpu.memory_space<semaphore_mem>>
    %dma_start3A_70 = arith.constant 0 : i32
    %dma_start3A_71 = tpu.memref_slice %arg3[%add3A_64, %dma_start3A_70] : memref<4096x2048xf32, #tpu.memory_space<hbm>> -> memref<16x2048xf32, #tpu.memory_space<hbm>>
    tpu.enqueue_dma source(%arg4 : memref<16x2048xf32, #tpu.memory_space<vmem>>) target(%dma_start3A_71 : memref<16x2048xf32, #tpu.memory_space<hbm>>) target_semaphore(%dma_start3A_69 : memref<!tpu.dma_semaphore, #tpu.memory_space<semaphore_mem>>)
    %add3A_72 = arith.constant 0 : i32
    %add3A_73 = arith.addi %mul3A_2, %add3A_72 : i32
    %dma_wait3A_74 = arith.constant 0 : i32
    %dma_wait3A_75 = arith.constant 0 : i32
    %dma_wait3A_76 = tpu.memref_slice %arg3[%add3A_73, %dma_wait3A_75] : memref<4096x2048xf32, #tpu.memory_space<hbm>> -> memref<16x2048xf32, #tpu.memory_space<hbm>>
    %dma_wait3A_77 = tpu.memref_slice %arg11[%dma_wait3A_74] : memref<3x!tpu.dma_semaphore, #tpu.memory_space<semaphore_mem>> -> memref<1x!tpu.dma_semaphore, #tpu.memory_space<semaphore_mem>>
    %dma_wait3A_78 = tpu.memref_squeeze %dma_wait3A_77 : memref<1x!tpu.dma_semaphore, #tpu.memory_space<semaphore_mem>> -> memref<!tpu.dma_semaphore, #tpu.memory_space<semaphore_mem>>
    %dma_wait3A_79 = arith.constant 0 : i32
    %dma_wait3A_80 = tpu.memref_slice %arg3[%add3A_73, %dma_wait3A_79] : memref<4096x2048xf32, #tpu.memory_space<hbm>> -> memref<16x2048xf32, #tpu.memory_space<hbm>>
    tpu.wait_dma2 semaphore(%dma_wait3A_78 : memref<!tpu.dma_semaphore, #tpu.memory_space<semaphore_mem>>) src(%arg4 : memref<16x2048xf32, #tpu.memory_space<vmem>>) dst(%dma_wait3A_80 : memref<16x2048xf32, #tpu.memory_space<hbm>>)
    %add3A_81 = arith.constant 48 : i32
    %add3A_82 = arith.addi %mul3A_2, %add3A_81 : i32
    %mul3A_83 = arith.constant 4 : i32
    %mul3A_84 = arith.muli %add3A_82, %mul3A_83 : i32
    %mul3A_85 = arith.constant 4 : i32
    %mul3A_86 = vector.broadcast %mul3A_85 : i32 to vector<16xi32>
    %mul3A_87 = arith.muli %iota3A, %mul3A_86 : vector<16xi32>
    %add3A_88 = vector.broadcast %mul3A_84 : i32 to vector<16xi32>
    %add3A_89 = arith.addi %add3A_88, %mul3A_87 : vector<16xi32>
    %swap3A_90 = arith.constant 0 : index
    %swap3A_91 = tpu.vector_load %arg7[%swap3A_90] {strides = array<i32>} : memref<16xi32, #tpu.memory_space<vmem>>, vector<16xi32>,
    %swap3A_92 = vector.shape_cast %swap3A_91 : vector<16xi32> to vector<16xi32>
    %swap3A_93 = vector.shape_cast %add3A_89 : vector<16xi32> to vector<16xi32>
    tpu.vector_store %arg7[%swap3A_90], %swap3A_93 {strides = array<i32>} : memref<16xi32, #tpu.memory_space<vmem>>, vector<16xi32>,
    %dma_start3A_94 = arith.constant 0 : i32
    %dma_start3A_95 = arith.constant 0 : i32
    %dma_start3A_96 = arith.constant 0 : i32
    %dma_start3A_97 = tpu.memref_slice %arg2[%dma_start3A_95, %dma_start3A_96] : memref<16384x2048xf32, #tpu.memory_space<hbm>> -> memref<16384x2048xf32, #tpu.memory_space<hbm>>
    %dma_start3A_98 = tpu.memref_slice %arg10[%dma_start3A_94] : memref<3x!tpu.dma_semaphore, #tpu.memory_space<semaphore_mem>> -> memref<1x!tpu.dma_semaphore, #tpu.memory_space<semaphore_mem>>
    %dma_start3A_99 = tpu.memref_squeeze %dma_start3A_98 : memref<1x!tpu.dma_semaphore, #tpu.memory_space<semaphore_mem>> -> memref<!tpu.dma_semaphore, #tpu.memory_space<semaphore_mem>>
    tpu.enqueue_indirect_dma source(%dma_start3A_97 : memref<16384x2048xf32, #tpu.memory_space<hbm>>) target(%arg4 : memref<16x2048xf32, #tpu.memory_space<vmem>>) offsets(%arg7 : memref<16xi32, #tpu.memory_space<vmem>>) semaphore(%dma_start3A_99 : memref<!tpu.dma_semaphore, #tpu.memory_space<semaphore_mem>>)
    %dma_wait3A_100 = arith.constant 1 : i32
    %dma_wait3A_101 = arith.constant 0 : i32
    %dma_wait3A_102 = arith.constant 0 : i32
    %dma_wait3A_103 = tpu.memref_slice %arg2[%dma_wait3A_101, %dma_wait3A_102] : memref<16384x2048xf32, #tpu.memory_space<hbm>> -> memref<16384x2048xf32, #tpu.memory_space<hbm>>
    %dma_wait3A_104 = tpu.memref_slice %arg10[%dma_wait3A_100] : memref<3x!tpu.dma_semaphore, #tpu.memory_space<semaphore_mem>> -> memref<1x!tpu.dma_semaphore, #tpu.memory_space<semaphore_mem>>
    %dma_wait3A_105 = tpu.memref_squeeze %dma_wait3A_104 : memref<1x!tpu.dma_semaphore, #tpu.memory_space<semaphore_mem>> -> memref<!tpu.dma_semaphore, #tpu.memory_space<semaphore_mem>>
    tpu.wait_indirect_dma semaphore(%dma_wait3A_105 : memref<!tpu.dma_semaphore, #tpu.memory_space<semaphore_mem>>) src(%dma_wait3A_103 : memref<16384x2048xf32, #tpu.memory_space<hbm>>) dst(%arg5 : memref<16x2048xf32, #tpu.memory_space<vmem>>)
    %add3A_106 = arith.constant 16 : i32
    %add3A_107 = arith.addi %mul3A_2, %add3A_106 : i32
    %dma_start3A_108 = arith.constant 1 : i32
    %dma_start3A_109 = arith.constant 0 : i32
    %dma_start3A_110 = tpu.memref_slice %arg3[%add3A_107, %dma_start3A_109] : memref<4096x2048xf32, #tpu.memory_space<hbm>> -> memref<16x2048xf32, #tpu.memory_space<hbm>>
    %dma_start3A_111 = tpu.memref_slice %arg11[%dma_start3A_108] : memref<3x!tpu.dma_semaphore, #tpu.memory_space<semaphore_mem>> -> memref<1x!tpu.dma_semaphore, #tpu.memory_space<semaphore_mem>>
    %dma_start3A_112 = tpu.memref_squeeze %dma_start3A_111 : memref<1x!tpu.dma_semaphore, #tpu.memory_space<semaphore_mem>> -> memref<!tpu.dma_semaphore, #tpu.memory_space<semaphore_mem>>
    %dma_start3A_113 = arith.constant 0 : i32
    %dma_start3A_114 = tpu.memref_slice %arg3[%add3A_107, %dma_start3A_113] : memref<4096x2048xf32, #tpu.memory_space<hbm>> -> memref<16x2048xf32, #tpu.memory_space<hbm>>
    tpu.enqueue_dma source(%arg5 : memref<16x2048xf32, #tpu.memory_space<vmem>>) target(%dma_start3A_114 : memref<16x2048xf32, #tpu.memory_space<hbm>>) target_semaphore(%dma_start3A_112 : memref<!tpu.dma_semaphore, #tpu.memory_space<semaphore_mem>>)
    %add3A_115 = arith.constant 16 : i32
    %add3A_116 = arith.addi %mul3A_2, %add3A_115 : i32
    %dma_wait3A_117 = arith.constant 1 : i32
    %dma_wait3A_118 = arith.constant 0 : i32
    %dma_wait3A_119 = tpu.memref_slice %arg3[%add3A_116, %dma_wait3A_118] : memref<4096x2048xf32, #tpu.memory_space<hbm>> -> memref<16x2048xf32, #tpu.memory_space<hbm>>
    %dma_wait3A_120 = tpu.memref_slice %arg11[%dma_wait3A_117] : memref<3x!tpu.dma_semaphore, #tpu.memory_space<semaphore_mem>> -> memref<1x!tpu.dma_semaphore, #tpu.memory_space<semaphore_mem>>
    %dma_wait3A_121 = tpu.memref_squeeze %dma_wait3A_120 : memref<1x!tpu.dma_semaphore, #tpu.memory_space<semaphore_mem>> -> memref<!tpu.dma_semaphore, #tpu.memory_space<semaphore_mem>>
    %dma_wait3A_122 = arith.constant 0 : i32
    %dma_wait3A_123 = tpu.memref_slice %arg3[%add3A_116, %dma_wait3A_122] : memref<4096x2048xf32, #tpu.memory_space<hbm>> -> memref<16x2048xf32, #tpu.memory_space<hbm>>
    tpu.wait_dma2 semaphore(%dma_wait3A_121 : memref<!tpu.dma_semaphore, #tpu.memory_space<semaphore_mem>>) src(%arg5 : memref<16x2048xf32, #tpu.memory_space<vmem>>) dst(%dma_wait3A_123 : memref<16x2048xf32, #tpu.memory_space<hbm>>)
    %add3A_124 = arith.constant 64 : i32
    %add3A_125 = arith.addi %mul3A_2, %add3A_124 : i32
    %mul3A_126 = arith.constant 4 : i32
    %mul3A_127 = arith.muli %add3A_125, %mul3A_126 : i32
    %mul3A_128 = arith.constant 4 : i32
    %mul3A_129 = vector.broadcast %mul3A_128 : i32 to vector<16xi32>
    %mul3A_130 = arith.muli %iota3A, %mul3A_129 : vector<16xi32>
    %add3A_131 = vector.broadcast %mul3A_127 : i32 to vector<16xi32>
    %add3A_132 = arith.addi %add3A_131, %mul3A_130 : vector<16xi32>
    %swap3A_133 = arith.constant 0 : index
    %swap3A_134 = tpu.vector_load %arg8[%swap3A_133] {strides = array<i32>} : memref<16xi32, #tpu.memory_space<vmem>>, vector<16xi32>,
    %swap3A_135 = vector.shape_cast %swap3A_134 : vector<16xi32> to vector<16xi32>
    %swap3A_136 = vector.shape_cast %add3A_132 : vector<16xi32> to vector<16xi32>
    tpu.vector_store %arg8[%swap3A_133], %swap3A_136 {strides = array<i32>} : memref<16xi32, #tpu.memory_space<vmem>>, vector<16xi32>,
    %dma_start3A_137 = arith.constant 1 : i32
    %dma_start3A_138 = arith.constant 0 : i32
    %dma_start3A_139 = arith.constant 0 : i32
    %dma_start3A_140 = tpu.memref_slice %arg2[%dma_start3A_138, %dma_start3A_139] : memref<16384x2048xf32, #tpu.memory_space<hbm>> -> memref<16384x2048xf32, #tpu.memory_space<hbm>>
    %dma_start3A_141 = tpu.memref_slice %arg10[%dma_start3A_137] : memref<3x!tpu.dma_semaphore, #tpu.memory_space<semaphore_mem>> -> memref<1x!tpu.dma_semaphore, #tpu.memory_space<semaphore_mem>>
    %dma_start3A_142 = tpu.memref_squeeze %dma_start3A_141 : memref<1x!tpu.dma_semaphore, #tpu.memory_space<semaphore_mem>> -> memref<!tpu.dma_semaphore, #tpu.memory_space<semaphore_mem>>
    tpu.enqueue_indirect_dma source(%dma_start3A_140 : memref<16384x2048xf32, #tpu.memory_space<hbm>>) target(%arg5 : memref<16x2048xf32, #tpu.memory_space<vmem>>) offsets(%arg8 : memref<16xi32, #tpu.memory_space<vmem>>) semaphore(%dma_start3A_142 : memref<!tpu.dma_semaphore, #tpu.memory_space<semaphore_mem>>)
    %dma_wait3A_143 = arith.constant 2 : i32
    %dma_wait3A_144 = arith.constant 0 : i32
    %dma_wait3A_145 = arith.constant 0 : i32
    %dma_wait3A_146 = tpu.memref_slice %arg2[%dma_wait3A_144, %dma_wait3A_145] : memref<16384x2048xf32, #tpu.memory_space<hbm>> -> memref<16384x2048xf32, #tpu.memory_space<hbm>>
    %dma_wait3A_147 = tpu.memref_slice %arg10[%dma_wait3A_143] : memref<3x!tpu.dma_semaphore, #tpu.memory_space<semaphore_mem>> -> memref<1x!tpu.dma_semaphore, #tpu.memory_space<semaphore_mem>>
    %dma_wait3A_148 = tpu.memref_squeeze %dma_wait3A_147 : memref<1x!tpu.dma_semaphore, #tpu.memory_space<semaphore_mem>> -> memref<!tpu.dma_semaphore, #tpu.memory_space<semaphore_mem>>
    tpu.wait_indirect_dma semaphore(%dma_wait3A_148 : memref<!tpu.dma_semaphore, #tpu.memory_space<semaphore_mem>>) src(%dma_wait3A_146 : memref<16384x2048xf32, #tpu.memory_space<hbm>>) dst(%arg6 : memref<16x2048xf32, #tpu.memory_space<vmem>>)
    %add3A_149 = arith.constant 32 : i32
    %add3A_150 = arith.addi %mul3A_2, %add3A_149 : i32
    %dma_start3A_151 = arith.constant 2 : i32
    %dma_start3A_152 = arith.constant 0 : i32
    %dma_start3A_153 = tpu.memref_slice %arg3[%add3A_150, %dma_start3A_152] : memref<4096x2048xf32, #tpu.memory_space<hbm>> -> memref<16x2048xf32, #tpu.memory_space<hbm>>
    %dma_start3A_154 = tpu.memref_slice %arg11[%dma_start3A_151] : memref<3x!tpu.dma_semaphore, #tpu.memory_space<semaphore_mem>> -> memref<1x!tpu.dma_semaphore, #tpu.memory_space<semaphore_mem>>
    %dma_start3A_155 = tpu.memref_squeeze %dma_start3A_154 : memref<1x!tpu.dma_semaphore, #tpu.memory_space<semaphore_mem>> -> memref<!tpu.dma_semaphore, #tpu.memory_space<semaphore_mem>>
    %dma_start3A_156 = arith.constant 0 : i32
    %dma_start3A_157 = tpu.memref_slice %arg3[%add3A_150, %dma_start3A_156] : memref<4096x2048xf32, #tpu.memory_space<hbm>> -> memref<16x2048xf32, #tpu.memory_space<hbm>>
    tpu.enqueue_dma source(%arg6 : memref<16x2048xf32, #tpu.memory_space<vmem>>) target(%dma_start3A_157 : memref<16x2048xf32, #tpu.memory_space<hbm>>) target_semaphore(%dma_start3A_155 : memref<!tpu.dma_semaphore, #tpu.memory_space<semaphore_mem>>)
    %add3A_158 = arith.constant 32 : i32
    %add3A_159 = arith.addi %mul3A_2, %add3A_158 : i32
    %dma_wait3A_160 = arith.constant 2 : i32
    %dma_wait3A_161 = arith.constant 0 : i32
    %dma_wait3A_162 = tpu.memref_slice %arg3[%add3A_159, %dma_wait3A_161] : memref<4096x2048xf32, #tpu.memory_space<hbm>> -> memref<16x2048xf32, #tpu.memory_space<hbm>>
    %dma_wait3A_163 = tpu.memref_slice %arg11[%dma_wait3A_160] : memref<3x!tpu.dma_semaphore, #tpu.memory_space<semaphore_mem>> -> memref<1x!tpu.dma_semaphore, #tpu.memory_space<semaphore_mem>>
    %dma_wait3A_164 = tpu.memref_squeeze %dma_wait3A_163 : memref<1x!tpu.dma_semaphore, #tpu.memory_space<semaphore_mem>> -> memref<!tpu.dma_semaphore, #tpu.memory_space<semaphore_mem>>
    %dma_wait3A_165 = arith.constant 0 : i32
    %dma_wait3A_166 = tpu.memref_slice %arg3[%add3A_159, %dma_wait3A_165] : memref<4096x2048xf32, #tpu.memory_space<hbm>> -> memref<16x2048xf32, #tpu.memory_space<hbm>>
    tpu.wait_dma2 semaphore(%dma_wait3A_164 : memref<!tpu.dma_semaphore, #tpu.memory_space<semaphore_mem>>) src(%arg6 : memref<16x2048xf32, #tpu.memory_space<vmem>>) dst(%dma_wait3A_166 : memref<16x2048xf32, #tpu.memory_space<hbm>>)
    %add3A_167 = arith.constant 80 : i32
    %add3A_168 = arith.addi %mul3A_2, %add3A_167 : i32
    %mul3A_169 = arith.constant 4 : i32
    %mul3A_170 = arith.muli %add3A_168, %mul3A_169 : i32
    %mul3A_171 = arith.constant 4 : i32
    %mul3A_172 = vector.broadcast %mul3A_171 : i32 to vector<16xi32>
    %mul3A_173 = arith.muli %iota3A, %mul3A_172 : vector<16xi32>
    %add3A_174 = vector.broadcast %mul3A_170 : i32 to vector<16xi32>
    %add3A_175 = arith.addi %add3A_174, %mul3A_173 : vector<16xi32>
    %swap3A_176 = arith.constant 0 : index
    %swap3A_177 = tpu.vector_load %arg9[%swap3A_176] {strides = array<i32>} : memref<16xi32, #tpu.memory_space<vmem>>, vector<16xi32>,
    %swap3A_178 = vector.shape_cast %swap3A_177 : vector<16xi32> to vector<16xi32>
    %swap3A_179 = vector.shape_cast %add3A_175 : vector<16xi32> to vector<16xi32>
    tpu.vector_store %arg9[%swap3A_176], %swap3A_179 {strides = array<i32>} : memref<16xi32, #tpu.memory_space<vmem>>, vector<16xi32>,
    %dma_start3A_180 = arith.constant 2 : i32
    %dma_start3A_181 = arith.constant 0 : i32
    %dma_start3A_182 = arith.constant 0 : i32
    %dma_start3A_183 = tpu.memref_slice %arg2[%dma_start3A_181, %dma_start3A_182] : memref<16384x2048xf32, #tpu.memory_space<hbm>> -> memref<16384x2048xf32, #tpu.memory_space<hbm>>
    %dma_start3A_184 = tpu.memref_slice %arg10[%dma_start3A_180] : memref<3x!tpu.dma_semaphore, #tpu.memory_space<semaphore_mem>> -> memref<1x!tpu.dma_semaphore, #tpu.memory_space<semaphore_mem>>
    %dma_start3A_185 = tpu.memref_squeeze %dma_start3A_184 : memref<1x!tpu.dma_semaphore, #tpu.memory_space<semaphore_mem>> -> memref<!tpu.dma_semaphore, #tpu.memory_space<semaphore_mem>>
    tpu.enqueue_indirect_dma source(%dma_start3A_183 : memref<16384x2048xf32, #tpu.memory_space<hbm>>) target(%arg6 : memref<16x2048xf32, #tpu.memory_space<vmem>>) offsets(%arg9 : memref<16xi32, #tpu.memory_space<vmem>>) semaphore(%dma_start3A_185 : memref<!tpu.dma_semaphore, #tpu.memory_space<semaphore_mem>>)
    %dma_wait3A_186 = arith.constant 0 : i32
    %dma_wait3A_187 = arith.constant 0 : i32
    %dma_wait3A_188 = arith.constant 0 : i32
    %dma_wait3A_189 = tpu.memref_slice %arg2[%dma_wait3A_187, %dma_wait3A_188] : memref<16384x2048xf32, #tpu.memory_space<hbm>> -> memref<16384x2048xf32, #tpu.memory_space<hbm>>
    %dma_wait3A_190 = tpu.memref_slice %arg10[%dma_wait3A_186] : memref<3x!tpu.dma_semaphore, #tpu.memory_space<semaphore_mem>> -> memref<1x!tpu.dma_semaphore, #tpu.memory_space<semaphore_mem>>
    %dma_wait3A_191 = tpu.memref_squeeze %dma_wait3A_190 : memref<1x!tpu.dma_semaphore, #tpu.memory_space<semaphore_mem>> -> memref<!tpu.dma_semaphore, #tpu.memory_space<semaphore_mem>>
    tpu.wait_indirect_dma semaphore(%dma_wait3A_191 : memref<!tpu.dma_semaphore, #tpu.memory_space<semaphore_mem>>) src(%dma_wait3A_189 : memref<16384x2048xf32, #tpu.memory_space<hbm>>) dst(%arg4 : memref<16x2048xf32, #tpu.memory_space<vmem>>)
    %add3A_192 = arith.constant 48 : i32
    %add3A_193 = arith.addi %mul3A_2, %add3A_192 : i32
    %dma_start3A_194 = arith.constant 0 : i32
    %dma_start3A_195 = arith.constant 0 : i32
    %dma_start3A_196 = tpu.memref_slice %arg3[%add3A_193, %dma_start3A_195] : memref<4096x2048xf32, #tpu.memory_space<hbm>> -> memref<16x2048xf32, #tpu.memory_space<hbm>>
    %dma_start3A_197 = tpu.memref_slice %arg11[%dma_start3A_194] : memref<3x!tpu.dma_semaphore, #tpu.memory_space<semaphore_mem>> -> memref<1x!tpu.dma_semaphore, #tpu.memory_space<semaphore_mem>>
    %dma_start3A_198 = tpu.memref_squeeze %dma_start3A_197 : memref<1x!tpu.dma_semaphore, #tpu.memory_space<semaphore_mem>> -> memref<!tpu.dma_semaphore, #tpu.memory_space<semaphore_mem>>
    %dma_start3A_199 = arith.constant 0 : i32
    %dma_start3A_200 = tpu.memref_slice %arg3[%add3A_193, %dma_start3A_199] : memref<4096x2048xf32, #tpu.memory_space<hbm>> -> memref<16x2048xf32, #tpu.memory_space<hbm>>
    tpu.enqueue_dma source(%arg4 : memref<16x2048xf32, #tpu.memory_space<vmem>>) target(%dma_start3A_200 : memref<16x2048xf32, #tpu.memory_space<hbm>>) target_semaphore(%dma_start3A_198 : memref<!tpu.dma_semaphore, #tpu.memory_space<semaphore_mem>>)
    %add3A_201 = arith.constant 48 : i32
    %add3A_202 = arith.addi %mul3A_2, %add3A_201 : i32
    %dma_wait3A_203 = arith.constant 0 : i32
    %dma_wait3A_204 = arith.constant 0 : i32
    %dma_wait3A_205 = tpu.memref_slice %arg3[%add3A_202, %dma_wait3A_204] : memref<4096x2048xf32, #tpu.memory_space<hbm>> -> memref<16x2048xf32, #tpu.memory_space<hbm>>
    %dma_wait3A_206 = tpu.memref_slice %arg11[%dma_wait3A_203] : memref<3x!tpu.dma_semaphore, #tpu.memory_space<semaphore_mem>> -> memref<1x!tpu.dma_semaphore, #tpu.memory_space<semaphore_mem>>
    %dma_wait3A_207 = tpu.memref_squeeze %dma_wait3A_206 : memref<1x!tpu.dma_semaphore, #tpu.memory_space<semaphore_mem>> -> memref<!tpu.dma_semaphore, #tpu.memory_space<semaphore_mem>>
    %dma_wait3A_208 = arith.constant 0 : i32
    %dma_wait3A_209 = tpu.memref_slice %arg3[%add3A_202, %dma_wait3A_208] : memref<4096x2048xf32, #tpu.memory_space<hbm>> -> memref<16x2048xf32, #tpu.memory_space<hbm>>
    tpu.wait_dma2 semaphore(%dma_wait3A_207 : memref<!tpu.dma_semaphore, #tpu.memory_space<semaphore_mem>>) src(%arg4 : memref<16x2048xf32, #tpu.memory_space<vmem>>) dst(%dma_wait3A_209 : memref<16x2048xf32, #tpu.memory_space<hbm>>)
    %add3A_210 = arith.constant 96 : i32
    %add3A_211 = arith.addi %mul3A_2, %add3A_210 : i32
    %mul3A_212 = arith.constant 4 : i32
    %mul3A_213 = arith.muli %add3A_211, %mul3A_212 : i32
    %mul3A_214 = arith.constant 4 : i32
    %mul3A_215 = vector.broadcast %mul3A_214 : i32 to vector<16xi32>
    %mul3A_216 = arith.muli %iota3A, %mul3A_215 : vector<16xi32>
    %add3A_217 = vector.broadcast %mul3A_213 : i32 to vector<16xi32>
    %add3A_218 = arith.addi %add3A_217, %mul3A_216 : vector<16xi32>
    %swap3A_219 = arith.constant 0 : index
    %swap3A_220 = tpu.vector_load %arg7[%swap3A_219] {strides = array<i32>} : memref<16xi32, #tpu.memory_space<vmem>>, vector<16xi32>,
    %swap3A_221 = vector.shape_cast %swap3A_220 : vector<16xi32> to vector<16xi32>
    %swap3A_222 = vector.shape_cast %add3A_218 : vector<16xi32> to vector<16xi32>
    tpu.vector_store %arg7[%swap3A_219], %swap3A_222 {strides = array<i32>} : memref<16xi32, #tpu.memory_space<vmem>>, vector<16xi32>,
    %dma_start3A_223 = arith.constant 0 : i32
    %dma_start3A_224 = arith.constant 0 : i32
    %dma_start3A_225 = arith.constant 0 : i32
    %dma_start3A_226 = tpu.memref_slice %arg2[%dma_start3A_224, %dma_start3A_225] : memref<16384x2048xf32, #tpu.memory_space<hbm>> -> memref<16384x2048xf32, #tpu.memory_space<hbm>>
    %dma_start3A_227 = tpu.memref_slice %arg10[%dma_start3A_223] : memref<3x!tpu.dma_semaphore, #tpu.memory_space<semaphore_mem>> -> memref<1x!tpu.dma_semaphore, #tpu.memory_space<semaphore_mem>>
    %dma_start3A_228 = tpu.memref_squeeze %dma_start3A_227 : memref<1x!tpu.dma_semaphore, #tpu.memory_space<semaphore_mem>> -> memref<!tpu.dma_semaphore, #tpu.memory_space<semaphore_mem>>
    tpu.enqueue_indirect_dma source(%dma_start3A_226 : memref<16384x2048xf32, #tpu.memory_space<hbm>>) target(%arg4 : memref<16x2048xf32, #tpu.memory_space<vmem>>) offsets(%arg7 : memref<16xi32, #tpu.memory_space<vmem>>) semaphore(%dma_start3A_228 : memref<!tpu.dma_semaphore, #tpu.memory_space<semaphore_mem>>)
    %dma_wait3A_229 = arith.constant 1 : i32
    %dma_wait3A_230 = arith.constant 0 : i32
    %dma_wait3A_231 = arith.constant 0 : i32
    %dma_wait3A_232 = tpu.memref_slice %arg2[%dma_wait3A_230, %dma_wait3A_231] : memref<16384x2048xf32, #tpu.memory_space<hbm>> -> memref<16384x2048xf32, #tpu.memory_space<hbm>>
    %dma_wait3A_233 = tpu.memref_slice %arg10[%dma_wait3A_229] : memref<3x!tpu.dma_semaphore, #tpu.memory_space<semaphore_mem>> -> memref<1x!tpu.dma_semaphore, #tpu.memory_space<semaphore_mem>>
    %dma_wait3A_234 = tpu.memref_squeeze %dma_wait3A_233 : memref<1x!tpu.dma_semaphore, #tpu.memory_space<semaphore_mem>> -> memref<!tpu.dma_semaphore, #tpu.memory_space<semaphore_mem>>
    tpu.wait_indirect_dma semaphore(%dma_wait3A_234 : memref<!tpu.dma_semaphore, #tpu.memory_space<semaphore_mem>>) src(%dma_wait3A_232 : memref<16384x2048xf32, #tpu.memory_space<hbm>>) dst(%arg5 : memref<16x2048xf32, #tpu.memory_space<vmem>>)
    %add3A_235 = arith.constant 64 : i32
    %add3A_236 = arith.addi %mul3A_2, %add3A_235 : i32
    %dma_start3A_237 = arith.constant 1 : i32
    %dma_start3A_238 = arith.constant 0 : i32
    %dma_start3A_239 = tpu.memref_slice %arg3[%add3A_236, %dma_start3A_238] : memref<4096x2048xf32, #tpu.memory_space<hbm>> -> memref<16x2048xf32, #tpu.memory_space<hbm>>
    %dma_start3A_240 = tpu.memref_slice %arg11[%dma_start3A_237] : memref<3x!tpu.dma_semaphore, #tpu.memory_space<semaphore_mem>> -> memref<1x!tpu.dma_semaphore, #tpu.memory_space<semaphore_mem>>
    %dma_start3A_241 = tpu.memref_squeeze %dma_start3A_240 : memref<1x!tpu.dma_semaphore, #tpu.memory_space<semaphore_mem>> -> memref<!tpu.dma_semaphore, #tpu.memory_space<semaphore_mem>>
    %dma_start3A_242 = arith.constant 0 : i32
    %dma_start3A_243 = tpu.memref_slice %arg3[%add3A_236, %dma_start3A_242] : memref<4096x2048xf32, #tpu.memory_space<hbm>> -> memref<16x2048xf32, #tpu.memory_space<hbm>>
    tpu.enqueue_dma source(%arg5 : memref<16x2048xf32, #tpu.memory_space<vmem>>) target(%dma_start3A_243 : memref<16x2048xf32, #tpu.memory_space<hbm>>) target_semaphore(%dma_start3A_241 : memref<!tpu.dma_semaphore, #tpu.memory_space<semaphore_mem>>)
    %add3A_244 = arith.constant 64 : i32
    %add3A_245 = arith.addi %mul3A_2, %add3A_244 : i32
    %dma_wait3A_246 = arith.constant 1 : i32
    %dma_wait3A_247 = arith.constant 0 : i32
    %dma_wait3A_248 = tpu.memref_slice %arg3[%add3A_245, %dma_wait3A_247] : memref<4096x2048xf32, #tpu.memory_space<hbm>> -> memref<16x2048xf32, #tpu.memory_space<hbm>>
    %dma_wait3A_249 = tpu.memref_slice %arg11[%dma_wait3A_246] : memref<3x!tpu.dma_semaphore, #tpu.memory_space<semaphore_mem>> -> memref<1x!tpu.dma_semaphore, #tpu.memory_space<semaphore_mem>>
    %dma_wait3A_250 = tpu.memref_squeeze %dma_wait3A_249 : memref<1x!tpu.dma_semaphore, #tpu.memory_space<semaphore_mem>> -> memref<!tpu.dma_semaphore, #tpu.memory_space<semaphore_mem>>
    %dma_wait3A_251 = arith.constant 0 : i32
    %dma_wait3A_252 = tpu.memref_slice %arg3[%add3A_245, %dma_wait3A_251] : memref<4096x2048xf32, #tpu.memory_space<hbm>> -> memref<16x2048xf32, #tpu.memory_space<hbm>>
    tpu.wait_dma2 semaphore(%dma_wait3A_250 : memref<!tpu.dma_semaphore, #tpu.memory_space<semaphore_mem>>) src(%arg5 : memref<16x2048xf32, #tpu.memory_space<vmem>>) dst(%dma_wait3A_252 : memref<16x2048xf32, #tpu.memory_space<hbm>>)
    %add3A_253 = arith.constant 112 : i32
    %add3A_254 = arith.addi %mul3A_2, %add3A_253 : i32
    %mul3A_255 = arith.constant 4 : i32
    %mul3A_256 = arith.muli %add3A_254, %mul3A_255 : i32
    %mul3A_257 = arith.constant 4 : i32
    %mul3A_258 = vector.broadcast %mul3A_257 : i32 to vector<16xi32>
    %mul3A_259 = arith.muli %iota3A, %mul3A_258 : vector<16xi32>
    %add3A_260 = vector.broadcast %mul3A_256 : i32 to vector<16xi32>
    %add3A_261 = arith.addi %add3A_260, %mul3A_259 : vector<16xi32>
    %swap3A_262 = arith.constant 0 : index
    %swap3A_263 = tpu.vector_load %arg8[%swap3A_262] {strides = array<i32>} : memref<16xi32, #tpu.memory_space<vmem>>, vector<16xi32>,
    %swap3A_264 = vector.shape_cast %swap3A_263 : vector<16xi32> to vector<16xi32>
    %swap3A_265 = vector.shape_cast %add3A_261 : vector<16xi32> to vector<16xi32>
    tpu.vector_store %arg8[%swap3A_262], %swap3A_265 {strides = array<i32>} : memref<16xi32, #tpu.memory_space<vmem>>, vector<16xi32>,
    %dma_start3A_266 = arith.constant 1 : i32
    %dma_start3A_267 = arith.constant 0 : i32
    %dma_start3A_268 = arith.constant 0 : i32
    %dma_start3A_269 = tpu.memref_slice %arg2[%dma_start3A_267, %dma_start3A_268] : memref<16384x2048xf32, #tpu.memory_space<hbm>> -> memref<16384x2048xf32, #tpu.memory_space<hbm>>
    %dma_start3A_270 = tpu.memref_slice %arg10[%dma_start3A_266] : memref<3x!tpu.dma_semaphore, #tpu.memory_space<semaphore_mem>> -> memref<1x!tpu.dma_semaphore, #tpu.memory_space<semaphore_mem>>
    %dma_start3A_271 = tpu.memref_squeeze %dma_start3A_270 : memref<1x!tpu.dma_semaphore, #tpu.memory_space<semaphore_mem>> -> memref<!tpu.dma_semaphore, #tpu.memory_space<semaphore_mem>>
    tpu.enqueue_indirect_dma source(%dma_start3A_269 : memref<16384x2048xf32, #tpu.memory_space<hbm>>) target(%arg5 : memref<16x2048xf32, #tpu.memory_space<vmem>>) offsets(%arg8 : memref<16xi32, #tpu.memory_space<vmem>>) semaphore(%dma_start3A_271 : memref<!tpu.dma_semaphore, #tpu.memory_space<semaphore_mem>>)
    %dma_wait3A_272 = arith.constant 2 : i32
    %dma_wait3A_273 = arith.constant 0 : i32
    %dma_wait3A_274 = arith.constant 0 : i32
    %dma_wait3A_275 = tpu.memref_slice %arg2[%dma_wait3A_273, %dma_wait3A_274] : memref<16384x2048xf32, #tpu.memory_space<hbm>> -> memref<16384x2048xf32, #tpu.memory_space<hbm>>
    %dma_wait3A_276 = tpu.memref_slice %arg10[%dma_wait3A_272] : memref<3x!tpu.dma_semaphore, #tpu.memory_space<semaphore_mem>> -> memref<1x!tpu.dma_semaphore, #tpu.memory_space<semaphore_mem>>
    %dma_wait3A_277 = tpu.memref_squeeze %dma_wait3A_276 : memref<1x!tpu.dma_semaphore, #tpu.memory_space<semaphore_mem>> -> memref<!tpu.dma_semaphore, #tpu.memory_space<semaphore_mem>>
    tpu.wait_indirect_dma semaphore(%dma_wait3A_277 : memref<!tpu.dma_semaphore, #tpu.memory_space<semaphore_mem>>) src(%dma_wait3A_275 : memref<16384x2048xf32, #tpu.memory_space<hbm>>) dst(%arg6 : memref<16x2048xf32, #tpu.memory_space<vmem>>)
    %add3A_278 = arith.constant 80 : i32
    %add3A_279 = arith.addi %mul3A_2, %add3A_278 : i32
    %dma_start3A_280 = arith.constant 2 : i32
    %dma_start3A_281 = arith.constant 0 : i32
    %dma_start3A_282 = tpu.memref_slice %arg3[%add3A_279, %dma_start3A_281] : memref<4096x2048xf32, #tpu.memory_space<hbm>> -> memref<16x2048xf32, #tpu.memory_space<hbm>>
    %dma_start3A_283 = tpu.memref_slice %arg11[%dma_start3A_280] : memref<3x!tpu.dma_semaphore, #tpu.memory_space<semaphore_mem>> -> memref<1x!tpu.dma_semaphore, #tpu.memory_space<semaphore_mem>>
    %dma_start3A_284 = tpu.memref_squeeze %dma_start3A_283 : memref<1x!tpu.dma_semaphore, #tpu.memory_space<semaphore_mem>> -> memref<!tpu.dma_semaphore, #tpu.memory_space<semaphore_mem>>
    %dma_start3A_285 = arith.constant 0 : i32
    %dma_start3A_286 = tpu.memref_slice %arg3[%add3A_279, %dma_start3A_285] : memref<4096x2048xf32, #tpu.memory_space<hbm>> -> memref<16x2048xf32, #tpu.memory_space<hbm>>
    tpu.enqueue_dma source(%arg6 : memref<16x2048xf32, #tpu.memory_space<vmem>>) target(%dma_start3A_286 : memref<16x2048xf32, #tpu.memory_space<hbm>>) target_semaphore(%dma_start3A_284 : memref<!tpu.dma_semaphore, #tpu.memory_space<semaphore_mem>>)
    %dma_wait3A_287 = arith.constant 0 : i32
    %dma_wait3A_288 = arith.constant 0 : i32
    %dma_wait3A_289 = arith.constant 0 : i32
    %dma_wait3A_290 = tpu.memref_slice %arg2[%dma_wait3A_288, %dma_wait3A_289] : memref<16384x2048xf32, #tpu.memory_space<hbm>> -> memref<16384x2048xf32, #tpu.memory_space<hbm>>
    %dma_wait3A_291 = tpu.memref_slice %arg10[%dma_wait3A_287] : memref<3x!tpu.dma_semaphore, #tpu.memory_space<semaphore_mem>> -> memref<1x!tpu.dma_semaphore, #tpu.memory_space<semaphore_mem>>
    %dma_wait3A_292 = tpu.memref_squeeze %dma_wait3A_291 : memref<1x!tpu.dma_semaphore, #tpu.memory_space<semaphore_mem>> -> memref<!tpu.dma_semaphore, #tpu.memory_space<semaphore_mem>>
    tpu.wait_indirect_dma semaphore(%dma_wait3A_292 : memref<!tpu.dma_semaphore, #tpu.memory_space<semaphore_mem>>) src(%dma_wait3A_290 : memref<16384x2048xf32, #tpu.memory_space<hbm>>) dst(%arg4 : memref<16x2048xf32, #tpu.memory_space<vmem>>)
    %add3A_293 = arith.constant 96 : i32
    %add3A_294 = arith.addi %mul3A_2, %add3A_293 : i32
    %dma_start3A_295 = arith.constant 0 : i32
    %dma_start3A_296 = arith.constant 0 : i32
    %dma_start3A_297 = tpu.memref_slice %arg3[%add3A_294, %dma_start3A_296] : memref<4096x2048xf32, #tpu.memory_space<hbm>> -> memref<16x2048xf32, #tpu.memory_space<hbm>>
    %dma_start3A_298 = tpu.memref_slice %arg11[%dma_start3A_295] : memref<3x!tpu.dma_semaphore, #tpu.memory_space<semaphore_mem>> -> memref<1x!tpu.dma_semaphore, #tpu.memory_space<semaphore_mem>>
    %dma_start3A_299 = tpu.memref_squeeze %dma_start3A_298 : memref<1x!tpu.dma_semaphore, #tpu.memory_space<semaphore_mem>> -> memref<!tpu.dma_semaphore, #tpu.memory_space<semaphore_mem>>
    %dma_start3A_300 = arith.constant 0 : i32
    %dma_start3A_301 = tpu.memref_slice %arg3[%add3A_294, %dma_start3A_300] : memref<4096x2048xf32, #tpu.memory_space<hbm>> -> memref<16x2048xf32, #tpu.memory_space<hbm>>
    tpu.enqueue_dma source(%arg4 : memref<16x2048xf32, #tpu.memory_space<vmem>>) target(%dma_start3A_301 : memref<16x2048xf32, #tpu.memory_space<hbm>>) target_semaphore(%dma_start3A_299 : memref<!tpu.dma_semaphore, #tpu.memory_space<semaphore_mem>>)
    %dma_wait3A_302 = arith.constant 1 : i32
    %dma_wait3A_303 = arith.constant 0 : i32
    %dma_wait3A_304 = arith.constant 0 : i32
    %dma_wait3A_305 = tpu.memref_slice %arg2[%dma_wait3A_303, %dma_wait3A_304] : memref<16384x2048xf32, #tpu.memory_space<hbm>> -> memref<16384x2048xf32, #tpu.memory_space<hbm>>
    %dma_wait3A_306 = tpu.memref_slice %arg10[%dma_wait3A_302] : memref<3x!tpu.dma_semaphore, #tpu.memory_space<semaphore_mem>> -> memref<1x!tpu.dma_semaphore, #tpu.memory_space<semaphore_mem>>
    %dma_wait3A_307 = tpu.memref_squeeze %dma_wait3A_306 : memref<1x!tpu.dma_semaphore, #tpu.memory_space<semaphore_mem>> -> memref<!tpu.dma_semaphore, #tpu.memory_space<semaphore_mem>>
    tpu.wait_indirect_dma semaphore(%dma_wait3A_307 : memref<!tpu.dma_semaphore, #tpu.memory_space<semaphore_mem>>) src(%dma_wait3A_305 : memref<16384x2048xf32, #tpu.memory_space<hbm>>) dst(%arg5 : memref<16x2048xf32, #tpu.memory_space<vmem>>)
    %add3A_308 = arith.constant 112 : i32
    %add3A_309 = arith.addi %mul3A_2, %add3A_308 : i32
    %dma_start3A_310 = arith.constant 1 : i32
    %dma_start3A_311 = arith.constant 0 : i32
    %dma_start3A_312 = tpu.memref_slice %arg3[%add3A_309, %dma_start3A_311] : memref<4096x2048xf32, #tpu.memory_space<hbm>> -> memref<16x2048xf32, #tpu.memory_space<hbm>>
    %dma_start3A_313 = tpu.memref_slice %arg11[%dma_start3A_310] : memref<3x!tpu.dma_semaphore, #tpu.memory_space<semaphore_mem>> -> memref<1x!tpu.dma_semaphore, #tpu.memory_space<semaphore_mem>>
    %dma_start3A_314 = tpu.memref_squeeze %dma_start3A_313 : memref<1x!tpu.dma_semaphore, #tpu.memory_space<semaphore_mem>> -> memref<!tpu.dma_semaphore, #tpu.memory_space<semaphore_mem>>
    %dma_start3A_315 = arith.constant 0 : i32
    %dma_start3A_316 = tpu.memref_slice %arg3[%add3A_309, %dma_start3A_315] : memref<4096x2048xf32, #tpu.memory_space<hbm>> -> memref<16x2048xf32, #tpu.memory_space<hbm>>
    tpu.enqueue_dma source(%arg5 : memref<16x2048xf32, #tpu.memory_space<vmem>>) target(%dma_start3A_316 : memref<16x2048xf32, #tpu.memory_space<hbm>>) target_semaphore(%dma_start3A_314 : memref<!tpu.dma_semaphore, #tpu.memory_space<semaphore_mem>>)
    %add3A_317 = arith.constant 80 : i32
    %add3A_318 = arith.addi %mul3A_2, %add3A_317 : i32
    %dma_wait3A_319 = arith.constant 2 : i32
    %dma_wait3A_320 = arith.constant 0 : i32
    %dma_wait3A_321 = tpu.memref_slice %arg3[%add3A_318, %dma_wait3A_320] : memref<4096x2048xf32, #tpu.memory_space<hbm>> -> memref<16x2048xf32, #tpu.memory_space<hbm>>
    %dma_wait3A_322 = tpu.memref_slice %arg11[%dma_wait3A_319] : memref<3x!tpu.dma_semaphore, #tpu.memory_space<semaphore_mem>> -> memref<1x!tpu.dma_semaphore, #tpu.memory_space<semaphore_mem>>
    %dma_wait3A_323 = tpu.memref_squeeze %dma_wait3A_322 : memref<1x!tpu.dma_semaphore, #tpu.memory_space<semaphore_mem>> -> memref<!tpu.dma_semaphore, #tpu.memory_space<semaphore_mem>>
    %dma_wait3A_324 = arith.constant 0 : i32
    %dma_wait3A_325 = tpu.memref_slice %arg3[%add3A_318, %dma_wait3A_324] : memref<4096x2048xf32, #tpu.memory_space<hbm>> -> memref<16x2048xf32, #tpu.memory_space<hbm>>
    tpu.wait_dma2 semaphore(%dma_wait3A_323 : memref<!tpu.dma_semaphore, #tpu.memory_space<semaphore_mem>>) src(%arg6 : memref<16x2048xf32, #tpu.memory_space<vmem>>) dst(%dma_wait3A_325 : memref<16x2048xf32, #tpu.memory_space<hbm>>)
    %add3A_326 = arith.constant 96 : i32
    %add3A_327 = arith.addi %mul3A_2, %add3A_326 : i32
    %dma_wait3A_328 = arith.constant 0 : i32
    %dma_wait3A_329 = arith.constant 0 : i32
    %dma_wait3A_330 = tpu.memref_slice %arg3[%add3A_327, %dma_wait3A_329] : memref<4096x2048xf32, #tpu.memory_space<hbm>> -> memref<16x2048xf32, #tpu.memory_space<hbm>>
    %dma_wait3A_331 = tpu.memref_slice %arg11[%dma_wait3A_328] : memref<3x!tpu.dma_semaphore, #tpu.memory_space<semaphore_mem>> -> memref<1x!tpu.dma_semaphore, #tpu.memory_space<semaphore_mem>>
    %dma_wait3A_332 = tpu.memref_squeeze %dma_wait3A_331 : memref<1x!tpu.dma_semaphore, #tpu.memory_space<semaphore_mem>> -> memref<!tpu.dma_semaphore, #tpu.memory_space<semaphore_mem>>
    %dma_wait3A_333 = arith.constant 0 : i32
    %dma_wait3A_334 = tpu.memref_slice %arg3[%add3A_327, %dma_wait3A_333] : memref<4096x2048xf32, #tpu.memory_space<hbm>> -> memref<16x2048xf32, #tpu.memory_space<hbm>>
    tpu.wait_dma2 semaphore(%dma_wait3A_332 : memref<!tpu.dma_semaphore, #tpu.memory_space<semaphore_mem>>) src(%arg4 : memref<16x2048xf32, #tpu.memory_space<vmem>>) dst(%dma_wait3A_334 : memref<16x2048xf32, #tpu.memory_space<hbm>>)
    %add3A_335 = arith.constant 112 : i32
    %add3A_336 = arith.addi %mul3A_2, %add3A_335 : i32
    %dma_wait3A_337 = arith.constant 1 : i32
    %dma_wait3A_338 = arith.constant 0 : i32
    %dma_wait3A_339 = tpu.memref_slice %arg3[%add3A_336, %dma_wait3A_338] : memref<4096x2048xf32, #tpu.memory_space<hbm>> -> memref<16x2048xf32, #tpu.memory_space<hbm>>
    %dma_wait3A_340 = tpu.memref_slice %arg11[%dma_wait3A_337] : memref<3x!tpu.dma_semaphore, #tpu.memory_space<semaphore_mem>> -> memref<1x!tpu.dma_semaphore, #tpu.memory_space<semaphore_mem>>
    %dma_wait3A_341 = tpu.memref_squeeze %dma_wait3A_340 : memref<1x!tpu.dma_semaphore, #tpu.memory_space<semaphore_mem>> -> memref<!tpu.dma_semaphore, #tpu.memory_space<semaphore_mem>>
    %dma_wait3A_342 = arith.constant 0 : i32
    %dma_wait3A_343 = tpu.memref_slice %arg3[%add3A_336, %dma_wait3A_342] : memref<4096x2048xf32, #tpu.memory_space<hbm>> -> memref<16x2048xf32, #tpu.memory_space<hbm>>
    tpu.wait_dma2 semaphore(%dma_wait3A_341 : memref<!tpu.dma_semaphore, #tpu.memory_space<semaphore_mem>>) src(%arg5 : memref<16x2048xf32, #tpu.memory_space<vmem>>) dst(%dma_wait3A_343 : memref<16x2048xf32, #tpu.memory_space<hbm>>)
    return
  }
}

</mosaic_0001>

<sc_bundles>
// kernel: kernel.3.cloned.1.call-start
scs
__scs_entry_jumppad:
0x0: {  	(pc) =	sbr.rel $0x88, $3  }
0x1: {  	(tag) =	ssettag $0x0;
	lr =	simm.s32 $0x1  }
0x2: {  	[smem:$0x3FA0] =	sst lr;
	_ =	strace $0xD0000000  }
0x3: {  	_ = 	snop  }
0x4: {  	_ = 	snop  }
0x5: {  	_ = 	snop  }
0x6: {  	_ = 	snop  }
0x7: {  	_ = 	snop  }
__scs_overlays_trampoline_lowered:
0x8: {  	[smem:$0x3FAF] =	sst s0  }
0x9: {  	[smem:$0x3FB0] =	sst s1  }
0xa: {  	[smem:$0x3FB1] =	sst s2  }
0xb: {  	[smem:$0x3FB2] =	sst s3  }
0xc: {  	[smem:$0x3FB3] =	sst s4  }
0xd: {  	[smem:$0x3FB4] =	sst s5  }
0xe: {  	[smem:$0x3FB5] =	sst s6  }
0xf: {  	[smem:$0x3FB6] =	sst s7  }
0x10: {  	[smem:$0x3FB7] =	sst s8  }
0x11: {  	[smem:$0x3FB8] =	sst s9;
	s0 =	simm.s32 @!p0 $0x0  }
0x12: {  	s1 =	sld [smem:$0x3F9E];
	s0 =	simm.s32 @p0 $0x1  }
0x13: {  	[smem:$0x3FB9] =	sst s0;
	s0 =	simm.s32 @!p1 $0x0  }
0x14: {  	s2 =	sld [smem:$0x3F9D];
	s0 =	simm.s32 @p1 $0x1  }
0x15: {  	[smem:$0x3FBA] =	sst s0;
	s0 =	simm.s32 @!p2 $0x0  }
0x16: {  	s3 =	sld [smem:$0x3FDB];
	s0 =	simm.s32 @p2 $0x1  }
0x17: {  	s4 =	simm.s32 $0x1BF5;
	[smem:$0x3FBC] =	sst s0  }
0x18: {  	s0 =	sld [smem:$0x3F9F];
	_ =	swait.ge [sflag:s4], $0x0  }
0x19: {  	s7 =	sld [smem:$0x3FA0]  }
0x1a: {  	s8 =	sadd.s32 $0xFFFFE003, lr  }
0x1b: {  	s9 =	sadd.s32 $0xFFFFFEF7, lr;
	s5 =	simm.s32 $0xFFFFFFFF;
	p2 =	slt.u32 s8, $0xFFFFF086  }
0x1c: {  	p1 =	slt.u32 s9, $0xF7A;
	s5 =	simm.s32 @!p2 $0x0  }
0x1d: {  	s5 =	simm.s32 @p1 $0x1;
	p0 =	seq.s32 s7, s2  }
0x1e: {  	s7 =	smul.u32 @!p0 $0xF7A, s2;
	p2 =	seq.s32 @!p0 s5, $0x0  }
0x1f: {  	s9 =	smul.u32 $0xF7A, s1;
	s8 =	simm.s32 @!p0 $0x1BF5;
	p2 =	por !p2, p0  }
0x20: {  	[sflag:s8] =	ssyncset.s32 @!p0 $0xFFFFF086;
	s6 =	sadd.s32 @!p0 s3, s7;
	s7 =	simm.s32 @!p0 $0x108  }
0x21: {  	s3 =	sadd.s32 s3, s9;
	s6 =	sadd.s32 @!p0 $0x88, s6;
	s7 =	simm.s32 @p2 $0x1082  }
0x22: {  	[simem:s7], [sflag:s8] =	dma.local @!p0 [hbm:s6], $0xF7A  }
0x23: {  	s9 =	sor.u32 $0xD0000000, s2;
	s6 =	simm.s32 $0x108;
	_ =	swait.ge @!p0 [sflag:s8], $0x0  }
0x24: {  	s3 =	sadd.s32 $0x88, s3;
	s6 =	simm.s32 @!p1 $0x1082;
	[sflag:s4] =	ssyncset.s32 $0xFFFFF086  }
0x25: {  	[simem:s6], [sflag:s4] =	dma.local [hbm:s3], $0xF7A  }
0x26: {  	[smem:$0x3FA0] =	sst s1;
	(tag) =	ssettag s2;
	_ =	strace s9  }
0x27: {  	s1 =	sld [smem:$0x3FB0]  }
0x28: {  	s2 =	sld [smem:$0x3FB1]  }
0x29: {  	s4 =	sld [smem:$0x3FB3]  }
0x2a: {  	p0 =	seq.s32 s5, $0x0;
	s5 =	sld [smem:$0x3FB4]  }
0x2b: {  	s6 =	sld [smem:$0x3FB5]  }
0x2c: {  	s7 =	sld [smem:$0x3FB6]  }
0x2d: {  	s3 =	simm.s32 $0x108;
	s8 =	sld [smem:$0x3FB7]  }
0x2e: {  	s3 =	simm.s32 @!p0 $0x1082;
	s9 =	sld [smem:$0x3FB8]  }
0x2f: {  	lr =	sadd.s32 s0, s3;
	s0 =	sld [smem:$0x3FAF]  }
0x30: {  	s3 =	sld [smem:$0x3FB2]  }
0x31: {  	[smem:$0x3FBB] =	sst s10  }
0x32: {  	s10 =	sld [smem:$0x3FB9];
	_ =	sdelay $0x3  }
0x33: {  	p0 =	seq.s32 s10, $0x1;
	s10 =	sld [smem:$0x3FBB];
	_ =	sdelay $0x3  }
0x34: {  	[smem:$0x3FBB] =	sst s10  }
0x35: {  	s10 =	sld [smem:$0x3FBA];
	_ =	sdelay $0x3  }
0x36: {  	p1 =	seq.s32 s10, $0x1;
	s10 =	sld [smem:$0x3FBB];
	_ =	sdelay $0x3  }
0x37: {  	[smem:$0x3FBB] =	sst s10  }
0x38: {  	s10 =	sld [smem:$0x3FBC]  }
0x39: {  	_ = 	snop;
	(pc) =	sbr.ind lr, $3  }
0x3a: {  	_ = 	snop  }
0x3b: {  	_ = 	snop  }
0x3c: {  	p2 =	seq.s32 s10, $0x1;
	s10 =	sld [smem:$0x3FBB]  }
0x3d: {  	_ =	shalt  }
0x3e: {  	_ =	shalt  }
0x3f: {  	_ =	shalt  }
0x40: {  	_ =	shalt  }
0x41: {  	_ =	shalt  }
0x42: {  	_ =	shalt  }
0x43: {  	_ =	shalt  }
0x44: {  	_ =	shalt  }
0x45: {  	_ =	shalt  }
0x46: {  	_ =	shalt  }
0x47: {  	_ =	shalt  }
0x48: {  	_ =	shalt  }
0x49: {  	_ =	shalt  }
0x4a: {  	_ =	shalt  }
0x4b: {  	_ =	shalt  }
0x4c: {  	_ =	shalt  }
0x4d: {  	_ =	shalt  }
0x4e: {  	_ =	shalt  }
0x4f: {  	_ =	shalt  }
0x50: {  	_ =	shalt  }
0x51: {  	_ =	shalt  }
0x52: {  	_ =	shalt  }
0x53: {  	_ =	shalt  }
0x54: {  	_ =	shalt  }
0x55: {  	_ =	shalt  }
0x56: {  	_ =	shalt  }
0x57: {  	_ =	shalt  }
0x58: {  	_ =	shalt  }
0x59: {  	_ =	shalt  }
0x5a: {  	_ =	shalt  }
0x5b: {  	_ =	shalt  }
0x5c: {  	_ =	shalt  }
0x5d: {  	_ =	shalt  }
0x5e: {  	_ =	shalt  }
0x5f: {  	_ =	shalt  }
0x60: {  	_ =	shalt  }
0x61: {  	_ =	shalt  }
0x62: {  	_ =	shalt  }
0x63: {  	_ =	shalt  }
0x64: {  	_ =	shalt  }
0x65: {  	_ =	shalt  }
0x66: {  	_ =	shalt  }
0x67: {  	_ =	shalt  }
0x68: {  	_ =	shalt  }
0x69: {  	_ =	shalt  }
0x6a: {  	_ =	shalt  }
0x6b: {  	_ =	shalt  }
0x6c: {  	_ =	shalt  }
0x6d: {  	_ =	shalt  }
0x6e: {  	_ =	shalt  }
0x6f: {  	_ =	shalt  }
0x70: {  	_ =	shalt  }
0x71: {  	_ =	shalt  }
0x72: {  	_ =	shalt  }
0x73: {  	_ =	shalt  }
0x74: {  	_ =	shalt  }
0x75: {  	_ =	shalt  }
0x76: {  	_ =	shalt  }
0x77: {  	_ =	shalt  }
0x78: {  	_ =	shalt  }
0x79: {  	_ =	shalt  }
0x7a: {  	_ =	shalt  }
0x7b: {  	_ =	shalt  }
0x7c: {  	_ =	shalt  }
0x7d: {  	_ =	shalt  }
0x7e: {  	_ =	shalt  }
0x7f: {  	_ =	shalt  }
0x80: {  	_ =	shalt  }
0x81: {  	_ =	shalt  }
0x82: {  	_ =	shalt  }
0x83: {  	_ =	shalt  }
0x84: {  	_ =	shalt  }
0x85: {  	_ =	shalt  }
0x86: {  	_ =	shalt  }
0x87: {  	_ =	shalt  }
.Lfunc_end0:
.L_simem_size_0:
called_computation_lowered:
.L_overlay_start_0:
0x88: {  	s2 =	sld [smem:$0x3FD9]  }
0x89: {  	s3 =	sld [smem:$0x3FFE];
	_ =	sdelay $0x1  }
0x8a: {  	s1 =	srdreg.scid  }
0x8b: {  	s0 =	sand.u32 $0x1, s1  }
0x8c: {  	s18 =	sshll.u32 s0, $0xA;
	s2 =	sadd.s32 s3, s2  }
0x8d: {  	s2 =	sadd.s32 s2, s18  }
0x8e: {  	[smem:$0x3FC7] =	sst s2  }
0x8f: {  	_ = 	snop  }
0x90: {  	s2 =	sld [smem:$0x3FC9]  }
0x91: {  	s19 =	sld [smem:$0x3FD0];
	(tm) =	ssettm $0x1  }
0x92: {  	s4 =	sld [smem:$0x3FFB];
	_ =	sdelay $0x3  }
0x93: {  	_ =	strace s4  }
0x94: {  	s4 =	sld [smem:$0x3FFC];
	_ =	sdelay $0x3  }
0x95: {  	_ =	strace s4  }
0x96: {  	s4 =	sld [smem:$0x3FFD];
	_ =	sdelay $0x3  }
0x97: {  	_ =	strace s4  }
0x98: {  	_ =	strace $0x8FFFFFFF  }
0x99: {  	s20 =	sld [smem:$0x3FDB];
	_ =	sdelay $0x1  }
0x9a: {  	s5 =	simm.s32 $_scs_section_size  }
0x9b: {  	s6 =	simm.s32 $_size__tile_overlayer_lowered;
	s7 =	simm.s32 $_tile_overlayer_lowered  }
0x9c: {  	s23 =	simm.s32 $0x1BFF;
	s22 =	sshll.u32 s7, $0x1;
	s4 =	sadd.s32 s5, s20  }
0x9d: {  	s8 =	simm.s32 $0x0;
	s21 =	sshll.u32 s6, $0x1;
	s6 =	sadd.s32 s22, s4  }
0x9e: {  	[timem:s8], [sflag:s23] =	dma.local [hbm:s6], s21  }
0x9f: {  	_ =	swait.ge [sflag:s23], s21  }
0xa0: {  	s5 =	ssub.s32 $0x0, s21;
	[sflag:s23] =	ssyncset.done $0x0  }
0xa1: {  	[sflag:s23] =	ssyncadd.s32 s5;
	_ =	sdelay $0x1  }
0xa2: {  	s24 =	simm.s32 $0x1B8B  }
0xa3: {  	_ =	swait.ge [sflag:s24], $0x1  }
0xa4: {  	[sflag:s24] =	ssyncset.done $0x0  }
0xa5: {  	s25 =	simm.s32 $0x1B8E;
	[sflag:s24] =	ssyncadd.s32 $0xFFFFFFFF  }
0xa6: {  	s26 =	simm.s32 $execute0_lowered;
	[smem:$0x3FD2] =	sst s25  }
0xa7: {  	s5 =	sshll.u32 s26, $0x1;
	_ =	strace $0x80000046;
	[dreg:$0x1] =	wrdreg $0xFFFFFFFF  }
0xa8: {  	s28 =	simm.s32 $_size_execute0_lowered;
	s4 =	sadd.s32 s4, s5;
	[dreg:$0x0] =	wrdreg $0x0  }
0xa9: {  	s5 =	sshll.u32 s28, $0x1;
	[dreg:$0x2] =	wrdreg s4  }
0xaa: {  	[dreg:$0x3] =	wrdreg s5  }
0xab: {  	[dreg:$0x4] =	wrdreg $0xC0  }
0xac: {  	_ =	task [dreg:s8], $0x5FFFF  }
0xad: {  	[dreg:$0x1] =	wrdreg $0xFFFFFFFF  }
0xae: {  	[dreg:$0x0] =	wrdreg $0x60  }
0xaf: {  	[dreg:$0x2] =	wrdreg s2  }
0xb0: {  	[dreg:$0x3] =	wrdreg s19  }
0xb1: {  	[dreg:$0x4] =	wrdreg $0x9  }
0xb2: {  	_ =	task.clear_ibuf [dreg:s8], $0x5FFFF;
	_ =	strace $0x90000046  }
0xb3: {  	s29 =	simm.s32 $0x9;
	_ =	strace $0x80000048  }
0xb4: {  	_ =	swait.ge [sflag:s29], $0x1  }
0xb5: {  	[sflag:s29] =	ssyncadd.s32 $0xFFFFFFFF  }
0xb6: {  	_ =	strace $0x90000048  }
0xb7: {  	_ =	sfence  }
0xb8: {  	s30 =	sld [smem:$0x0];
	_ =	sdelay $0x2  }
0xb9: {  	s31 =	sshll.u32 s1, $0xD;
	s1 =	sshrl.u32 s1, $0x2  }
0xba: {  	s3 =	sand.u32 $0x4000, s31;
	s1 =	sadd.s32 s1, s30  }
0xbb: {  	s0 =	sor.u32 s3, s0;
	s1 =	sshll.u32 s1, $0x11  }
0xbc: {  	s0 =	sor.u32 s1, s0  }
0xbd: {  	s0 =	sadd.s32 $0x8F2B, s0  }
0xbe: {  	[sflag:s0] =	ssyncadd.remote.s32 $0x1  }
0xbf: {  	_ =	sfence.sel $0xFFFF  }
0xc0: {  	[dreg:$0x0] =	wrdreg $0xFFFFFFFF;
	(pc) =	sbr.abs _section_cstart, $3  }
0xc1: {  	[dreg:$0x1] =	wrdreg $0xFFFFFFFF  }
0xc2: {  	_ =	task.clear_ibuf [dreg:s8], $0x2FFFF;
	_ =	strace $0x9FFFFFFF  }
0xc3: {  	(tm) =	ssettm $0x7FFFFFFF  }
tec
execute0_lowered:
.L_overlay_start_1:
0x0: {  	(tag) =	ssettag $0x1  }
0x1: {  	s0 =	srdreg.scid;
	s1 =	stileid.u32  }
0x2: {  	v2 =	vlaneseq.u32;
	s2 =	sand.u32 $0x1, s0;
	s23 =	sshll.u32 s1, $0x1  }
0x3: {  	v21 =	vmul.u32 $0x4, v2;
	s22 =	sor.u32 s2, s23  }
0x4: {  	s0 =	sshll.u32 s22, $0x9  }
0x5: {  	v1 =	vand.u32 $0x1, v2;
	v0 =	vor.u32 s0, v21  }
0x6: {  	v22 =	vmul.u32 $0x4, v1;
	v3 =	vshll.u32 v0, $0x4  }
0x7: {  	v1 =	vand.u32 $0x7FFFE380, v3  }
0x8: {  	v24 =	vand.u32 $0x7, v2;
	v3 =	vor.u32 v22, v1;
	v1 =	vshrl.u32 v2, $0x3  }
0x9: {  	v4 =	vperm.xlane v3, v24;
	v23 =	vmul.u32 $0x8, v1;
	_ =	sdelay $0x1  }
0xa: {  	v1 =	vadd.s32 v23, v4  }
0xb: {  	s7 =	rddreg [dreg:$0x0];
	s3 =	simm.s32 $0x0  }
0xc: {  	[smem:$0x7FF] =	sst s3  }
0xd: {  	[dreg:$0xb] =	wrdreg s2  }
0xe: {  	s21 =	rddreg [dreg:$0x1];
	vm0 =	vmmov $0xffff;
	_ =	strace $0x80000047;
	[tilespmem:$0x18000] =	vst v0  }
0xf: {  	[tilespmem:s3], [sflag:$0x1] =	stream.indirect_vreg.gather [hbm4b:s7+s3], $0x80, v1, vm0, $0xb8;
	[tilespmem:$0x18180] =	vst v63  }
0x10: {  	s24 =	simm.s32 $0x800;
	s4 =	sadd.s32 $0x100, s7  }
0x11: {  	[tilespmem:s24], [sflag:$0x1] =	stream.indirect_vreg.gather [hbm4b:s4+s3], $0x80, v1, vm0, $0xb8;
	[tilespmem:$0x18180] =	vst v63  }
0x12: {  	s25 =	simm.s32 $0x1000;
	s6 =	sadd.s32 $0x200, s7  }
0x13: {  	[tilespmem:s25], [sflag:$0x1] =	stream.indirect_vreg.gather [hbm4b:s6+s3], $0x80, v1, vm0, $0xb8;
	[tilespmem:$0x18180] =	vst v63  }
0x14: {  	s26 =	simm.s32 $0x1800;
	s8 =	sadd.s32 $0x300, s7  }
0x15: {  	[tilespmem:s26], [sflag:$0x1] =	stream.indirect_vreg.gather [hbm4b:s8+s3], $0x80, v1, vm0, $0xb8;
	[tilespmem:$0x18180] =	vst v63  }
0x16: {  	s28 =	simm.s32 $0x2000;
	s10 =	sadd.s32 $0x400, s7  }
0x17: {  	v25 =	vor.u32 $0x8, v2;
	[tilespmem:s28], [sflag:$0x1] =	stream.indirect_vreg.gather [hbm4b:s10+s3], $0x80, v1, vm0, $0xb8;
	[tilespmem:$0x18180] =	vst v63  }
0x18: {  	s30 =	simm.s32 $0x2800;
	s12 =	sadd.s32 $0x500, s7;
	v2 =	vperm.xlane v3, v25  }
0x19: {  	[tilespmem:s30], [sflag:$0x1] =	stream.indirect_vreg.gather [hbm4b:s12+s3], $0x80, v1, vm0, $0xb8;
	[tilespmem:$0x18180] =	vst v63  }
0x1a: {  	s31 =	simm.s32 $0x3000;
	s14 =	sadd.s32 $0x600, s7;
	v2 =	vadd.s32 v23, v2  }
0x1b: {  	[tilespmem:s31], [sflag:$0x1] =	stream.indirect_vreg.gather [hbm4b:s14+s3], $0x80, v1, vm0, $0xb8;
	[tilespmem:$0x18180] =	vst v63  }
0x1c: {  	s16 =	sadd.s32 $0x700, s7;
	s1 =	simm.s32 $0x3800  }
0x1d: {  	[tilespmem:s1], [sflag:$0x1] =	stream.indirect_vreg.gather [hbm4b:s16+s3], $0x80, v1, vm0, $0xb8;
	[tilespmem:$0x18180] =	vst v63  }
0x1e: {  	s2 =	simm.s32 $0x4000;
	s23 =	sshll.u32 s22, $0x7  }
0x1f: {  	[tilespmem:s2], [sflag:$0x1] =	stream.indirect_vreg.gather [hbm4b:s7+s3], $0x80, v2, vm0, $0xb8;
	[tilespmem:$0x18180] =	vst v63  }
0x20: {  	s5 =	simm.s32 $0x4800;
	s24 =	sor.u32 $0x10, s23  }
0x21: {  	[tilespmem:s5], [sflag:$0x1] =	stream.indirect_vreg.gather [hbm4b:s4+s3], $0x80, v2, vm0, $0xb8;
	[tilespmem:$0x18180] =	vst v63  }
0x22: {  	s9 =	simm.s32 $0x5000;
	s11 =	sshll.u32 s24, $0x2  }
0x23: {  	[tilespmem:s9], [sflag:$0x1] =	stream.indirect_vreg.gather [hbm4b:s6+s3], $0x80, v2, vm0, $0xb8;
	[tilespmem:$0x18180] =	vst v63  }
0x24: {  	s13 =	simm.s32 $0x5800;
	v3 =	vor.u32 s11, v21  }
0x25: {  	v4 =	vshll.u32 v3, $0x4;
	[tilespmem:s13], [sflag:$0x1] =	stream.indirect_vreg.gather [hbm4b:s8+s3], $0x80, v2, vm0, $0xb8;
	[tilespmem:$0x18180] =	vst v63  }
0x26: {  	s15 =	simm.s32 $0x6000;
	v4 =	vand.u32 $0xFFFFFF80, v4  }
0x27: {  	v5 =	vor.u32 v22, v4;
	[tilespmem:s15], [sflag:$0x1] =	stream.indirect_vreg.gather [hbm4b:s10+s3], $0x80, v2, vm0, $0xb8;
	[tilespmem:$0x18180] =	vst v63  }
0x28: {  	s17 =	simm.s32 $0x6800;
	v4 =	vperm.xlane v5, v24  }
0x29: {  	[tilespmem:s17], [sflag:$0x1] =	stream.indirect_vreg.gather [hbm4b:s12+s3], $0x80, v2, vm0, $0xb8;
	[tilespmem:$0x18180] =	vst v63  }
0x2a: {  	s19 =	simm.s32 $0x7000;
	v4 =	vadd.s32 v23, v4  }
0x2b: {  	[tilespmem:s19], [sflag:$0x1] =	stream.indirect_vreg.gather [hbm4b:s14+s3], $0x80, v2, vm0, $0xb8;
	[tilespmem:$0x18180] =	vst v63  }
0x2c: {  	s20 =	simm.s32 $0x7800  }
0x2d: {  	[tilespmem:s20], [sflag:$0x1] =	stream.indirect_vreg.gather [hbm4b:s16+s3], $0x80, v2, vm0, $0xb8;
	[tilespmem:$0x18180] =	vst v63  }
0x2e: {  	s25 =	simm.s32 $0x8000;
	[tilespmem:$0x18080] =	vst v3  }
0x2f: {  	[tilespmem:s25], [sflag:$0x2] =	stream.indirect_vreg.gather [hbm4b:s7+s3], $0x80, v4, vm0, $0xb8;
	[tilespmem:$0x18180] =	vst v63  }
0x30: {  	s26 =	simm.s32 $0x8800  }
0x31: {  	[tilespmem:s26], [sflag:$0x2] =	stream.indirect_vreg.gather [hbm4b:s4+s3], $0x80, v4, vm0, $0xb8;
	[tilespmem:$0x18180] =	vst v63  }
0x32: {  	s28 =	simm.s32 $0x9000  }
0x33: {  	[tilespmem:s28], [sflag:$0x2] =	stream.indirect_vreg.gather [hbm4b:s6+s3], $0x80, v4, vm0, $0xb8;
	[tilespmem:$0x18180] =	vst v63  }
0x34: {  	s30 =	simm.s32 $0x9800  }
0x35: {  	[tilespmem:s30], [sflag:$0x2] =	stream.indirect_vreg.gather [hbm4b:s8+s3], $0x80, v4, vm0, $0xb8;
	[tilespmem:$0x18180] =	vst v63  }
0x36: {  	s31 =	simm.s32 $0xA000  }
0x37: {  	[tilespmem:s31], [sflag:$0x2] =	stream.indirect_vreg.gather [hbm4b:s10+s3], $0x80, v4, vm0, $0xb8;
	[tilespmem:$0x18180] =	vst v63  }
0x38: {  	v5 =	vperm.xlane v5, v25;
	s5 =	simm.s32 $0xA800  }
0x39: {  	[tilespmem:s5], [sflag:$0x2] =	stream.indirect_vreg.gather [hbm4b:s12+s3], $0x80, v4, vm0, $0xb8;
	[tilespmem:$0x18180] =	vst v63  }
0x3a: {  	v5 =	vadd.s32 v23, v5;
	s9 =	simm.s32 $0xB000  }
0x3b: {  	[tilespmem:s9], [sflag:$0x2] =	stream.indirect_vreg.gather [hbm4b:s14+s3], $0x80, v4, vm0, $0xb8;
	[tilespmem:$0x18180] =	vst v63  }
0x3c: {  	s13 =	simm.s32 $0xB800  }
0x3d: {  	[tilespmem:s13], [sflag:$0x2] =	stream.indirect_vreg.gather [hbm4b:s16+s3], $0x80, v4, vm0, $0xb8;
	[tilespmem:$0x18180] =	vst v63  }
0x3e: {  	s19 =	simm.s32 $0xC000  }
0x3f: {  	[tilespmem:s19], [sflag:$0x2] =	stream.indirect_vreg.gather [hbm4b:s7+s3], $0x80, v5, vm0, $0xb8;
	[tilespmem:$0x18180] =	vst v63  }
0x40: {  	s20 =	simm.s32 $0xC800  }
0x41: {  	[tilespmem:s20], [sflag:$0x2] =	stream.indirect_vreg.gather [hbm4b:s4+s3], $0x80, v5, vm0, $0xb8;
	[tilespmem:$0x18180] =	vst v63  }
0x42: {  	s25 =	simm.s32 $0xD000  }
0x43: {  	[tilespmem:s25], [sflag:$0x2] =	stream.indirect_vreg.gather [hbm4b:s6+s3], $0x80, v5, vm0, $0xb8;
	[tilespmem:$0x18180] =	vst v63  }
0x44: {  	s25 =	sor.u32 $0x20, s23  }
0x45: {  	s13 =	sshll.u32 s25, $0x2  }
0x46: {  	s26 =	simm.s32 $0xD800;
	v6 =	vor.u32 s13, v21  }
0x47: {  	[tilespmem:s26], [sflag:$0x2] =	stream.indirect_vreg.gather [hbm4b:s8+s3], $0x80, v5, vm0, $0xb8;
	v7 =	vshll.u32 v6, $0x4;
	[tilespmem:$0x18180] =	vst v63  }
0x48: {  	s28 =	simm.s32 $0xE000;
	v7 =	vand.u32 $0xFFFFFF80, v7  }
0x49: {  	[tilespmem:s28], [sflag:$0x2] =	stream.indirect_vreg.gather [hbm4b:s10+s3], $0x80, v5, vm0, $0xb8;
	v8 =	vor.u32 v22, v7;
	[tilespmem:$0x18180] =	vst v63  }
0x4a: {  	s30 =	simm.s32 $0xE800;
	v7 =	vperm.xlane v8, v24  }
0x4b: {  	[tilespmem:s30], [sflag:$0x2] =	stream.indirect_vreg.gather [hbm4b:s12+s3], $0x80, v5, vm0, $0xb8;
	[tilespmem:$0x18180] =	vst v63  }
0x4c: {  	s31 =	simm.s32 $0xF000;
	v7 =	vadd.s32 v23, v7  }
0x4d: {  	[tilespmem:s31], [sflag:$0x2] =	stream.indirect_vreg.gather [hbm4b:s14+s3], $0x80, v5, vm0, $0xb8;
	[tilespmem:$0x18180] =	vst v63  }
0x4e: {  	s5 =	simm.s32 $0xF800  }
0x4f: {  	[tilespmem:s5], [sflag:$0x2] =	stream.indirect_vreg.gather [hbm4b:s16+s3], $0x80, v5, vm0, $0xb8;
	[tilespmem:$0x18180] =	vst v63  }
0x50: {  	s9 =	simm.s32 $0x10000;
	[tilespmem:$0x18100] =	vst v6  }
0x51: {  	[tilespmem:s9], [sflag:$0x3] =	stream.indirect_vreg.gather [hbm4b:s7+s3], $0x80, v7, vm0, $0xb8;
	[tilespmem:$0x18180] =	vst v63  }
0x52: {  	s13 =	simm.s32 $0x10800  }
0x53: {  	[tilespmem:s13], [sflag:$0x3] =	stream.indirect_vreg.gather [hbm4b:s4+s3], $0x80, v7, vm0, $0xb8;
	[tilespmem:$0x18180] =	vst v63  }
0x54: {  	s19 =	simm.s32 $0x11000  }
0x55: {  	[tilespmem:s19], [sflag:$0x3] =	stream.indirect_vreg.gather [hbm4b:s6+s3], $0x80, v7, vm0, $0xb8;
	[tilespmem:$0x18180] =	vst v63  }
0x56: {  	s20 =	simm.s32 $0x11800  }
0x57: {  	[tilespmem:s20], [sflag:$0x3] =	stream.indirect_vreg.gather [hbm4b:s8+s3], $0x80, v7, vm0, $0xb8;
	[tilespmem:$0x18180] =	vst v63  }
0x58: {  	s26 =	simm.s32 $0x12000  }
0x59: {  	[tilespmem:s26], [sflag:$0x3] =	stream.indirect_vreg.gather [hbm4b:s10+s3], $0x80, v7, vm0, $0xb8;
	[tilespmem:$0x18180] =	vst v63  }
0x5a: {  	s28 =	simm.s32 $0x12800;
	v8 =	vperm.xlane v8, v25  }
0x5b: {  	[tilespmem:s28], [sflag:$0x3] =	stream.indirect_vreg.gather [hbm4b:s12+s3], $0x80, v7, vm0, $0xb8;
	[tilespmem:$0x18180] =	vst v63  }
0x5c: {  	s30 =	simm.s32 $0x13000;
	v8 =	vadd.s32 v23, v8  }
0x5d: {  	[tilespmem:s30], [sflag:$0x3] =	stream.indirect_vreg.gather [hbm4b:s14+s3], $0x80, v7, vm0, $0xb8;
	[tilespmem:$0x18180] =	vst v63  }
0x5e: {  	s31 =	simm.s32 $0x13800  }
0x5f: {  	[tilespmem:s31], [sflag:$0x3] =	stream.indirect_vreg.gather [hbm4b:s16+s3], $0x80, v7, vm0, $0xb8;
	[tilespmem:$0x18180] =	vst v63  }
0x60: {  	s22 =	sshll.u32 s22, $0xF;
	s5 =	simm.s32 $0x14000  }
0x61: {  	[tilespmem:s5], [sflag:$0x3] =	stream.indirect_vreg.gather [hbm4b:s7+s3], $0x80, v8, vm0, $0xb8;
	[tilespmem:$0x18180] =	vst v63  }
0x62: {  	s22 =	sadd.s32 s21, s22;
	s0 =	sor.u32 $0x50, s23;
	s9 =	simm.s32 $0x14800  }
0x63: {  	[tilespmem:s9], [sflag:$0x3] =	stream.indirect_vreg.gather [hbm4b:s4+s3], $0x80, v8, vm0, $0xb8;
	[tilespmem:$0x18180] =	vst v63  }
0x64: {  	[dreg:$0x3] =	wrdreg s22;
	s13 =	simm.s32 $0x15000;
	s20 =	sshll.u32 s24, $0x8  }
0x65: {  	[tilespmem:s13], [sflag:$0x3] =	stream.indirect_vreg.gather [hbm4b:s6+s3], $0x80, v8, vm0, $0xb8;
	[tilespmem:$0x18180] =	vst v63  }
0x66: {  	s19 =	simm.s32 $0x15800;
	s22 =	sadd.s32 s21, s20;
	s26 =	sshll.u32 s25, $0x8  }
0x67: {  	[tilespmem:s19], [sflag:$0x3] =	stream.indirect_vreg.gather [hbm4b:s8+s3], $0x80, v8, vm0, $0xb8;
	[tilespmem:$0x18180] =	vst v63  }
0x68: {  	s24 =	simm.s32 $0x16000;
	[dreg:$0x4] =	wrdreg s22;
	s30 =	sadd.s32 s21, s26  }
0x69: {  	[tilespmem:s24], [sflag:$0x3] =	stream.indirect_vreg.gather [hbm4b:s10+s3], $0x80, v8, vm0, $0xb8;
	[tilespmem:$0x18180] =	vst v63  }
0x6a: {  	s28 =	simm.s32 $0x16800;
	[dreg:$0x5] =	wrdreg s30;
	s31 =	sor.u32 $0x30, s23  }
0x6b: {  	[tilespmem:s28], [sflag:$0x3] =	stream.indirect_vreg.gather [hbm4b:s12+s3], $0x80, v8, vm0, $0xb8;
	[tilespmem:$0x18180] =	vst v63  }
0x6c: {  	s30 =	sshll.u32 s31, $0x2;
	s5 =	simm.s32 $0x17000;
	s28 =	sor.u32 $0x40, s23  }
0x6d: {  	s9 =	sor.u32 $0x70, s23;
	s13 =	sshll.u32 s31, $0x8;
	s29 =	sshll.u32 s28, $0x8  }
0x6e: {  	s22 =	sadd.s32 s21, s13;
	s19 =	sadd.s32 s21, s29;
	s29 =	sshll.u32 s0, $0x8  }
0x6f: {  	[tilespmem:s5], [sflag:$0x3] =	stream.indirect_vreg.gather [hbm4b:s14+s3], $0x80, v8, vm0, $0xb8;
	[tilespmem:$0x18180] =	vst v63  }
0x70: {  	[dreg:$0x6] =	wrdreg s22;
	s20 =	sadd.s32 s21, s29;
	s29 =	sor.u32 $0x60, s23  }
0x71: {  	s31 =	simm.s32 $0x17800;
	[dreg:$0x7] =	wrdreg s19;
	s25 =	sshll.u32 s29, $0x8  }
0x72: {  	[tilespmem:s31], [sflag:$0x3] =	stream.indirect_vreg.gather [hbm4b:s16+s3], $0x80, v8, vm0, $0xb8;
	[tilespmem:$0x18180] =	vst v63  }
0x73: {  	v9 =	vor.u32 s30, v21;
	s26 =	sshll.u32 s9, $0x8;
	[dreg:$0x8] =	wrdreg s20;
	s22 =	sadd.s32 s21, s25  }
0x74: {  	v10 =	vshll.u32 v9, $0x4;
	s21 =	sadd.s32 s21, s26;
	[dreg:$0x9] =	wrdreg s22  }
0x75: {  	v10 =	vand.u32 $0xFFFFFF80, v10;
	[dreg:$0xa] =	wrdreg s21;
	s21 =	simm.s32 $0x1  }
0x76: {  	v11 =	vor.u32 v22, v10;
	_ =	swait.ge [sflag:s21], $0x8000  }
0x77: {  	v10 =	vperm.xlane v11, v24;
	[sflag:s21] =	ssyncset.done $0x0  }
0x78: {  	s22 =	simm.s32 $0x4;
	s5 =	rddreg [dreg:$0x3];
	[sflag:s21] =	ssyncadd.s32 $0xFFFF8000  }
0x79: {  	v10 =	vadd.s32 v23, v10;
	[hbm4b:s5+s3] =	stream.linear.scatter [tilespmem:s3], [sflag:$0x4], $0x8000, $0x38;
	[tilespmem:$0x18180] =	vst v63  }
0x7a: {  	_ =	swait.ge [sflag:s22], $0x8000  }
0x7b: {  	[sflag:s22] =	ssyncset.done $0x0  }
0x7c: {  	[sflag:s22] =	ssyncadd.s32 $0xFFFF8000  }
0x7d: {  	[tilespmem:$0x18000] =	vst v9  }
0x7e: {  	[tilespmem:s3], [sflag:$0x1] =	stream.indirect_vreg.gather [hbm4b:s7+s3], $0x80, v10, vm0, $0xb8;
	[tilespmem:$0x18180] =	vst v63  }
0x7f: {  	s19 =	simm.s32 $0x800  }
0x80: {  	[tilespmem:s19], [sflag:$0x1] =	stream.indirect_vreg.gather [hbm4b:s4+s3], $0x80, v10, vm0, $0xb8;
	[tilespmem:$0x18180] =	vst v63  }
0x81: {  	s13 =	simm.s32 $0x1000  }
0x82: {  	[tilespmem:s13], [sflag:$0x1] =	stream.indirect_vreg.gather [hbm4b:s6+s3], $0x80, v10, vm0, $0xb8;
	[tilespmem:$0x18180] =	vst v63  }
0x83: {  	s20 =	simm.s32 $0x1800  }
0x84: {  	[tilespmem:s20], [sflag:$0x1] =	stream.indirect_vreg.gather [hbm4b:s8+s3], $0x80, v10, vm0, $0xb8;
	[tilespmem:$0x18180] =	vst v63  }
0x85: {  	s23 =	simm.s32 $0x2000  }
0x86: {  	[tilespmem:s23], [sflag:$0x1] =	stream.indirect_vreg.gather [hbm4b:s10+s3], $0x80, v10, vm0, $0xb8;
	[tilespmem:$0x18180] =	vst v63  }
0x87: {  	v11 =	vperm.xlane v11, v25;
	s24 =	simm.s32 $0x2800  }
0x88: {  	[tilespmem:s24], [sflag:$0x1] =	stream.indirect_vreg.gather [hbm4b:s12+s3], $0x80, v10, vm0, $0xb8;
	[tilespmem:$0x18180] =	vst v63  }
0x89: {  	v11 =	vadd.s32 v23, v11;
	s25 =	simm.s32 $0x3000  }
0x8a: {  	[tilespmem:s25], [sflag:$0x1] =	stream.indirect_vreg.gather [hbm4b:s14+s3], $0x80, v10, vm0, $0xb8;
	[tilespmem:$0x18180] =	vst v63  }
0x8b: {  	s26 =	simm.s32 $0x3800  }
0x8c: {  	[tilespmem:s26], [sflag:$0x1] =	stream.indirect_vreg.gather [hbm4b:s16+s3], $0x80, v10, vm0, $0xb8;
	[tilespmem:$0x18180] =	vst v63  }
0x8d: {  	s30 =	simm.s32 $0x4000  }
0x8e: {  	[tilespmem:s30], [sflag:$0x1] =	stream.indirect_vreg.gather [hbm4b:s7+s3], $0x80, v11, vm0, $0xb8;
	[tilespmem:$0x18180] =	vst v63  }
0x8f: {  	s31 =	simm.s32 $0x4800  }
0x90: {  	[tilespmem:s31], [sflag:$0x1] =	stream.indirect_vreg.gather [hbm4b:s4+s3], $0x80, v11, vm0, $0xb8;
	[tilespmem:$0x18180] =	vst v63  }
0x91: {  	s1 =	simm.s32 $0x5000  }
0x92: {  	[tilespmem:s1], [sflag:$0x1] =	stream.indirect_vreg.gather [hbm4b:s6+s3], $0x80, v11, vm0, $0xb8;
	[tilespmem:$0x18180] =	vst v63  }
0x93: {  	s2 =	simm.s32 $0x5800  }
0x94: {  	[tilespmem:s2], [sflag:$0x1] =	stream.indirect_vreg.gather [hbm4b:s8+s3], $0x80, v11, vm0, $0xb8;
	[tilespmem:$0x18180] =	vst v63  }
0x95: {  	s18 =	simm.s32 $0x6000  }
0x96: {  	[tilespmem:s18], [sflag:$0x1] =	stream.indirect_vreg.gather [hbm4b:s10+s3], $0x80, v11, vm0, $0xb8;
	[tilespmem:$0x18180] =	vst v63  }
0x97: {  	s11 =	simm.s32 $0x6800  }
0x98: {  	[tilespmem:s11], [sflag:$0x1] =	stream.indirect_vreg.gather [hbm4b:s12+s3], $0x80, v11, vm0, $0xb8;
	[tilespmem:$0x18180] =	vst v63  }
0x99: {  	s17 =	simm.s32 $0x7000;
	s13 =	sshll.u32 s28, $0x2  }
0x9a: {  	v12 =	vor.u32 s13, v21;
	[tilespmem:s17], [sflag:$0x1] =	stream.indirect_vreg.gather [hbm4b:s14+s3], $0x80, v11, vm0, $0xb8;
	[tilespmem:$0x18180] =	vst v63  }
0x9b: {  	s15 =	simm.s32 $0x7800;
	v13 =	vshll.u32 v12, $0x4;
	s23 =	simm.s32 $0x2  }
0x9c: {  	v13 =	vand.u32 $0xFFFFFF80, v13;
	[tilespmem:s15], [sflag:$0x1] =	stream.indirect_vreg.gather [hbm4b:s16+s3], $0x80, v11, vm0, $0xb8;
	[tilespmem:$0x18180] =	vst v63  }
0x9d: {  	v14 =	vor.u32 v22, v13;
	_ =	swait.ge [sflag:s23], $0x8000  }
0x9e: {  	v13 =	vperm.xlane v14, v24;
	s24 =	simm.s32 $0x5;
	[sflag:s23] =	ssyncset.done $0x0  }
0x9f: {  	s18 =	simm.s32 $0x8000;
	s17 =	rddreg [dreg:$0x4];
	[sflag:s23] =	ssyncadd.s32 $0xFFFF8000  }
0xa0: {  	v13 =	vadd.s32 v23, v13;
	[hbm4b:s17+s3] =	stream.linear.scatter [tilespmem:s18], [sflag:$0x5], $0x8000, $0x38;
	[tilespmem:$0x18180] =	vst v63  }
0xa1: {  	_ =	swait.ge [sflag:s24], $0x8000  }
0xa2: {  	[sflag:s24] =	ssyncset.done $0x0  }
0xa3: {  	[sflag:s24] =	ssyncadd.s32 $0xFFFF8000  }
0xa4: {  	[tilespmem:$0x18080] =	vst v12  }
0xa5: {  	[tilespmem:s18], [sflag:$0x2] =	stream.indirect_vreg.gather [hbm4b:s7+s3], $0x80, v13, vm0, $0xb8;
	[tilespmem:$0x18180] =	vst v63  }
0xa6: {  	s13 =	simm.s32 $0x8800  }
0xa7: {  	[tilespmem:s13], [sflag:$0x2] =	stream.indirect_vreg.gather [hbm4b:s4+s3], $0x80, v13, vm0, $0xb8;
	[tilespmem:$0x18180] =	vst v63  }
0xa8: {  	s20 =	simm.s32 $0x9000  }
0xa9: {  	[tilespmem:s20], [sflag:$0x2] =	stream.indirect_vreg.gather [hbm4b:s6+s3], $0x80, v13, vm0, $0xb8;
	[tilespmem:$0x18180] =	vst v63  }
0xaa: {  	s25 =	simm.s32 $0x9800  }
0xab: {  	[tilespmem:s25], [sflag:$0x2] =	stream.indirect_vreg.gather [hbm4b:s8+s3], $0x80, v13, vm0, $0xb8;
	[tilespmem:$0x18180] =	vst v63  }
0xac: {  	s26 =	simm.s32 $0xA000  }
0xad: {  	[tilespmem:s26], [sflag:$0x2] =	stream.indirect_vreg.gather [hbm4b:s10+s3], $0x80, v13, vm0, $0xb8;
	[tilespmem:$0x18180] =	vst v63  }
0xae: {  	v14 =	vperm.xlane v14, v25;
	s11 =	simm.s32 $0xA800  }
0xaf: {  	[tilespmem:s11], [sflag:$0x2] =	stream.indirect_vreg.gather [hbm4b:s12+s3], $0x80, v13, vm0, $0xb8;
	[tilespmem:$0x18180] =	vst v63  }
0xb0: {  	v14 =	vadd.s32 v23, v14;
	s15 =	simm.s32 $0xB000  }
0xb1: {  	[tilespmem:s15], [sflag:$0x2] =	stream.indirect_vreg.gather [hbm4b:s14+s3], $0x80, v13, vm0, $0xb8;
	[tilespmem:$0x18180] =	vst v63  }
0xb2: {  	s17 =	simm.s32 $0xB800  }
0xb3: {  	[tilespmem:s17], [sflag:$0x2] =	stream.indirect_vreg.gather [hbm4b:s16+s3], $0x80, v13, vm0, $0xb8;
	[tilespmem:$0x18180] =	vst v63  }
0xb4: {  	s18 =	simm.s32 $0xC000  }
0xb5: {  	[tilespmem:s18], [sflag:$0x2] =	stream.indirect_vreg.gather [hbm4b:s7+s3], $0x80, v14, vm0, $0xb8;
	[tilespmem:$0x18180] =	vst v63  }
0xb6: {  	s20 =	simm.s32 $0xC800  }
0xb7: {  	[tilespmem:s20], [sflag:$0x2] =	stream.indirect_vreg.gather [hbm4b:s4+s3], $0x80, v14, vm0, $0xb8;
	[tilespmem:$0x18180] =	vst v63  }
0xb8: {  	s25 =	simm.s32 $0xD000  }
0xb9: {  	[tilespmem:s25], [sflag:$0x2] =	stream.indirect_vreg.gather [hbm4b:s6+s3], $0x80, v14, vm0, $0xb8;
	[tilespmem:$0x18180] =	vst v63  }
0xba: {  	s26 =	simm.s32 $0xD800  }
0xbb: {  	[tilespmem:s26], [sflag:$0x2] =	stream.indirect_vreg.gather [hbm4b:s8+s3], $0x80, v14, vm0, $0xb8;
	[tilespmem:$0x18180] =	vst v63  }
0xbc: {  	s30 =	simm.s32 $0xE000  }
0xbd: {  	[tilespmem:s30], [sflag:$0x2] =	stream.indirect_vreg.gather [hbm4b:s10+s3], $0x80, v14, vm0, $0xb8;
	[tilespmem:$0x18180] =	vst v63  }
0xbe: {  	s31 =	simm.s32 $0xE800  }
0xbf: {  	[tilespmem:s31], [sflag:$0x2] =	stream.indirect_vreg.gather [hbm4b:s12+s3], $0x80, v14, vm0, $0xb8;
	[tilespmem:$0x18180] =	vst v63  }
0xc0: {  	s0 =	sshll.u32 s0, $0x2;
	s28 =	simm.s32 $0xF000  }
0xc1: {  	[tilespmem:s28], [sflag:$0x2] =	stream.indirect_vreg.gather [hbm4b:s14+s3], $0x80, v14, vm0, $0xb8;
	[tilespmem:$0x18180] =	vst v63  }
0xc2: {  	v15 =	vor.u32 s0, v21;
	s5 =	simm.s32 $0xF800;
	s1 =	simm.s32 $0x3  }
0xc3: {  	v16 =	vshll.u32 v15, $0x4;
	[tilespmem:s5], [sflag:$0x2] =	stream.indirect_vreg.gather [hbm4b:s16+s3], $0x80, v14, vm0, $0xb8;
	[tilespmem:$0x18180] =	vst v63  }
0xc4: {  	v16 =	vand.u32 $0xFFFFFF80, v16;
	_ =	swait.ge [sflag:s1], $0x8000  }
0xc5: {  	v17 =	vor.u32 v22, v16;
	[sflag:s1] =	ssyncset.done $0x0  }
0xc6: {  	s0 =	simm.s32 $0x10000;
	v16 =	vperm.xlane v17, v24;
	s28 =	rddreg [dreg:$0x5];
	[sflag:s1] =	ssyncadd.s32 $0xFFFF8000  }
0xc7: {  	[hbm4b:s28+s3] =	stream.linear.scatter [tilespmem:s0], [sflag:$0x6], $0x8000, $0x38;
	[tilespmem:$0x18180] =	vst v63  }
0xc8: {  	v16 =	vadd.s32 v23, v16;
	s28 =	simm.s32 $0x6  }
0xc9: {  	_ =	swait.ge [sflag:s28], $0x8000  }
0xca: {  	[sflag:s28] =	ssyncset.done $0x0  }
0xcb: {  	[sflag:s28] =	ssyncadd.s32 $0xFFFF8000  }
0xcc: {  	[tilespmem:$0x18100] =	vst v15  }
0xcd: {  	[tilespmem:s0], [sflag:$0x3] =	stream.indirect_vreg.gather [hbm4b:s7+s3], $0x80, v16, vm0, $0xb8;
	[tilespmem:$0x18180] =	vst v63  }
0xce: {  	s0 =	simm.s32 $0x10800  }
0xcf: {  	[tilespmem:s0], [sflag:$0x3] =	stream.indirect_vreg.gather [hbm4b:s4+s3], $0x80, v16, vm0, $0xb8;
	[tilespmem:$0x18180] =	vst v63  }
0xd0: {  	s0 =	simm.s32 $0x11000  }
0xd1: {  	[tilespmem:s0], [sflag:$0x3] =	stream.indirect_vreg.gather [hbm4b:s6+s3], $0x80, v16, vm0, $0xb8;
	[tilespmem:$0x18180] =	vst v63  }
0xd2: {  	s0 =	simm.s32 $0x11800  }
0xd3: {  	[tilespmem:s0], [sflag:$0x3] =	stream.indirect_vreg.gather [hbm4b:s8+s3], $0x80, v16, vm0, $0xb8;
	[tilespmem:$0x18180] =	vst v63  }
0xd4: {  	s0 =	simm.s32 $0x12000  }
0xd5: {  	[tilespmem:s0], [sflag:$0x3] =	stream.indirect_vreg.gather [hbm4b:s10+s3], $0x80, v16, vm0, $0xb8;
	[tilespmem:$0x18180] =	vst v63  }
0xd6: {  	v17 =	vperm.xlane v17, v25;
	s0 =	simm.s32 $0x12800  }
0xd7: {  	[tilespmem:s0], [sflag:$0x3] =	stream.indirect_vreg.gather [hbm4b:s12+s3], $0x80, v16, vm0, $0xb8;
	[tilespmem:$0x18180] =	vst v63  }
0xd8: {  	v17 =	vadd.s32 v23, v17;
	s0 =	simm.s32 $0x13000  }
0xd9: {  	[tilespmem:s0], [sflag:$0x3] =	stream.indirect_vreg.gather [hbm4b:s14+s3], $0x80, v16, vm0, $0xb8;
	[tilespmem:$0x18180] =	vst v63  }
0xda: {  	s0 =	simm.s32 $0x13800  }
0xdb: {  	[tilespmem:s0], [sflag:$0x3] =	stream.indirect_vreg.gather [hbm4b:s16+s3], $0x80, v16, vm0, $0xb8;
	[tilespmem:$0x18180] =	vst v63  }
0xdc: {  	s0 =	simm.s32 $0x14000  }
0xdd: {  	[tilespmem:s0], [sflag:$0x3] =	stream.indirect_vreg.gather [hbm4b:s7+s3], $0x80, v17, vm0, $0xb8;
	[tilespmem:$0x18180] =	vst v63  }
0xde: {  	s0 =	simm.s32 $0x14800  }
0xdf: {  	[tilespmem:s0], [sflag:$0x3] =	stream.indirect_vreg.gather [hbm4b:s4+s3], $0x80, v17, vm0, $0xb8;
	[tilespmem:$0x18180] =	vst v63  }
0xe0: {  	s0 =	simm.s32 $0x15000  }
0xe1: {  	[tilespmem:s0], [sflag:$0x3] =	stream.indirect_vreg.gather [hbm4b:s6+s3], $0x80, v17, vm0, $0xb8;
	[tilespmem:$0x18180] =	vst v63  }
0xe2: {  	s0 =	simm.s32 $0x15800  }
0xe3: {  	[tilespmem:s0], [sflag:$0x3] =	stream.indirect_vreg.gather [hbm4b:s8+s3], $0x80, v17, vm0, $0xb8;
	[tilespmem:$0x18180] =	vst v63  }
0xe4: {  	s0 =	simm.s32 $0x16000  }
0xe5: {  	[tilespmem:s0], [sflag:$0x3] =	stream.indirect_vreg.gather [hbm4b:s10+s3], $0x80, v17, vm0, $0xb8;
	[tilespmem:$0x18180] =	vst v63  }
0xe6: {  	s0 =	simm.s32 $0x16800  }
0xe7: {  	[tilespmem:s0], [sflag:$0x3] =	stream.indirect_vreg.gather [hbm4b:s12+s3], $0x80, v17, vm0, $0xb8;
	[tilespmem:$0x18180] =	vst v63  }
0xe8: {  	s29 =	sshll.u32 s29, $0x2;
	s0 =	simm.s32 $0x17000  }
0xe9: {  	v18 =	vor.u32 s29, v21;
	[tilespmem:s0], [sflag:$0x3] =	stream.indirect_vreg.gather [hbm4b:s14+s3], $0x80, v17, vm0, $0xb8;
	[tilespmem:$0x18180] =	vst v63  }
0xea: {  	v19 =	vshll.u32 v18, $0x4;
	s0 =	simm.s32 $0x17800  }
0xeb: {  	v19 =	vand.u32 $0xFFFFFF80, v19;
	[tilespmem:s0], [sflag:$0x3] =	stream.indirect_vreg.gather [hbm4b:s16+s3], $0x80, v17, vm0, $0xb8;
	[tilespmem:$0x18180] =	vst v63  }
0xec: {  	v20 =	vor.u32 v22, v19;
	_ =	swait.ge [sflag:s21], $0x8000  }
0xed: {  	v19 =	vperm.xlane v20, v24;
	[sflag:s21] =	ssyncset.done $0x0  }
0xee: {  	s29 =	rddreg [dreg:$0x6];
	[sflag:s21] =	ssyncadd.s32 $0xFFFF8000  }
0xef: {  	v19 =	vadd.s32 v23, v19;
	[hbm4b:s29+s3] =	stream.linear.scatter [tilespmem:s3], [sflag:$0x4], $0x8000, $0x38;
	[tilespmem:$0x18180] =	vst v63  }
0xf0: {  	_ =	swait.ge [sflag:s22], $0x8000  }
0xf1: {  	[sflag:s22] =	ssyncset.done $0x0  }
0xf2: {  	[sflag:s22] =	ssyncadd.s32 $0xFFFF8000  }
0xf3: {  	[tilespmem:$0x18000] =	vst v18  }
0xf4: {  	[tilespmem:s3], [sflag:$0x1] =	stream.indirect_vreg.gather [hbm4b:s7+s3], $0x80, v19, vm0, $0xb8;
	[tilespmem:$0x18180] =	vst v63  }
0xf5: {  	_ = 	snop  }
0xf6: {  	[tilespmem:s19], [sflag:$0x1] =	stream.indirect_vreg.gather [hbm4b:s4+s3], $0x80, v19, vm0, $0xb8;
	[tilespmem:$0x18180] =	vst v63  }
0xf7: {  	s0 =	simm.s32 $0x1000  }
0xf8: {  	[tilespmem:s0], [sflag:$0x1] =	stream.indirect_vreg.gather [hbm4b:s6+s3], $0x80, v19, vm0, $0xb8;
	[tilespmem:$0x18180] =	vst v63  }
0xf9: {  	s0 =	simm.s32 $0x1800  }
0xfa: {  	[tilespmem:s0], [sflag:$0x1] =	stream.indirect_vreg.gather [hbm4b:s8+s3], $0x80, v19, vm0, $0xb8;
	[tilespmem:$0x18180] =	vst v63  }
0xfb: {  	s0 =	simm.s32 $0x2000  }
0xfc: {  	[tilespmem:s0], [sflag:$0x1] =	stream.indirect_vreg.gather [hbm4b:s10+s3], $0x80, v19, vm0, $0xb8;
	[tilespmem:$0x18180] =	vst v63  }
0xfd: {  	v20 =	vperm.xlane v20, v25;
	s0 =	simm.s32 $0x2800  }
0xfe: {  	[tilespmem:s0], [sflag:$0x1] =	stream.indirect_vreg.gather [hbm4b:s12+s3], $0x80, v19, vm0, $0xb8;
	[tilespmem:$0x18180] =	vst v63  }
0xff: {  	v20 =	vadd.s32 v23, v20;
	s0 =	simm.s32 $0x3000  }
0x100: {  	[tilespmem:s0], [sflag:$0x1] =	stream.indirect_vreg.gather [hbm4b:s14+s3], $0x80, v19, vm0, $0xb8;
	[tilespmem:$0x18180] =	vst v63  }
0x101: {  	s0 =	simm.s32 $0x3800  }
0x102: {  	[tilespmem:s0], [sflag:$0x1] =	stream.indirect_vreg.gather [hbm4b:s16+s3], $0x80, v19, vm0, $0xb8;
	[tilespmem:$0x18180] =	vst v63  }
0x103: {  	s0 =	simm.s32 $0x4000  }
0x104: {  	[tilespmem:s0], [sflag:$0x1] =	stream.indirect_vreg.gather [hbm4b:s7+s3], $0x80, v20, vm0, $0xb8;
	[tilespmem:$0x18180] =	vst v63  }
0x105: {  	s0 =	simm.s32 $0x4800  }
0x106: {  	[tilespmem:s0], [sflag:$0x1] =	stream.indirect_vreg.gather [hbm4b:s4+s3], $0x80, v20, vm0, $0xb8;
	[tilespmem:$0x18180] =	vst v63  }
0x107: {  	s19 =	simm.s32 $0x5000  }
0x108: {  	[tilespmem:s19], [sflag:$0x1] =	stream.indirect_vreg.gather [hbm4b:s6+s3], $0x80, v20, vm0, $0xb8;
	[tilespmem:$0x18180] =	vst v63  }
0x109: {  	s19 =	simm.s32 $0x5800  }
0x10a: {  	[tilespmem:s19], [sflag:$0x1] =	stream.indirect_vreg.gather [hbm4b:s8+s3], $0x80, v20, vm0, $0xb8;
	[tilespmem:$0x18180] =	vst v63  }
0x10b: {  	s19 =	simm.s32 $0x6000  }
0x10c: {  	[tilespmem:s19], [sflag:$0x1] =	stream.indirect_vreg.gather [hbm4b:s10+s3], $0x80, v20, vm0, $0xb8;
	[tilespmem:$0x18180] =	vst v63  }
0x10d: {  	s19 =	simm.s32 $0x6800  }
0x10e: {  	[tilespmem:s19], [sflag:$0x1] =	stream.indirect_vreg.gather [hbm4b:s12+s3], $0x80, v20, vm0, $0xb8;
	[tilespmem:$0x18180] =	vst v63  }
0x10f: {  	s29 =	sshll.u32 s9, $0x2;
	s9 =	simm.s32 $0x7000  }
0x110: {  	v21 =	vor.u32 s29, v21;
	[tilespmem:s9], [sflag:$0x1] =	stream.indirect_vreg.gather [hbm4b:s14+s3], $0x80, v20, vm0, $0xb8;
	[tilespmem:$0x18180] =	vst v63  }
0x111: {  	v26 =	vshll.u32 v21, $0x4;
	s19 =	simm.s32 $0x7800  }
0x112: {  	v26 =	vand.u32 $0xFFFFFF80, v26;
	[tilespmem:s19], [sflag:$0x1] =	stream.indirect_vreg.gather [hbm4b:s16+s3], $0x80, v20, vm0, $0xb8;
	[tilespmem:$0x18180] =	vst v63  }
0x113: {  	v26 =	vor.u32 v22, v26;
	_ =	swait.ge [sflag:s23], $0x8000  }
0x114: {  	v22 =	vperm.xlane v26, v24;
	[sflag:s23] =	ssyncset.done $0x0  }
0x115: {  	s2 =	simm.s32 $0x8000;
	s29 =	rddreg [dreg:$0x7];
	[sflag:s23] =	ssyncadd.s32 $0xFFFF8000  }
0x116: {  	v22 =	vadd.s32 v23, v22;
	[hbm4b:s29+s3] =	stream.linear.scatter [tilespmem:s2], [sflag:$0x5], $0x8000, $0x38;
	[tilespmem:$0x18180] =	vst v63  }
0x117: {  	_ =	swait.ge [sflag:s24], $0x8000  }
0x118: {  	[sflag:s24] =	ssyncset.done $0x0  }
0x119: {  	[sflag:s24] =	ssyncadd.s32 $0xFFFF8000  }
0x11a: {  	[tilespmem:$0x18080] =	vst v21  }
0x11b: {  	[tilespmem:s2], [sflag:$0x2] =	stream.indirect_vreg.gather [hbm4b:s7+s3], $0x80, v22, vm0, $0xb8;
	[tilespmem:$0x18180] =	vst v63  }
0x11c: {  	_ = 	snop  }
0x11d: {  	[tilespmem:s13], [sflag:$0x2] =	stream.indirect_vreg.gather [hbm4b:s4+s3], $0x80, v22, vm0, $0xb8;
	[tilespmem:$0x18180] =	vst v63  }
0x11e: {  	s9 =	simm.s32 $0x9000  }
0x11f: {  	[tilespmem:s9], [sflag:$0x2] =	stream.indirect_vreg.gather [hbm4b:s6+s3], $0x80, v22, vm0, $0xb8;
	[tilespmem:$0x18180] =	vst v63  }
0x120: {  	s13 =	simm.s32 $0x9800  }
0x121: {  	[tilespmem:s13], [sflag:$0x2] =	stream.indirect_vreg.gather [hbm4b:s8+s3], $0x80, v22, vm0, $0xb8;
	[tilespmem:$0x18180] =	vst v63  }
0x122: {  	s19 =	simm.s32 $0xA000  }
0x123: {  	[tilespmem:s19], [sflag:$0x2] =	stream.indirect_vreg.gather [hbm4b:s10+s3], $0x80, v22, vm0, $0xb8;
	[tilespmem:$0x18180] =	vst v63  }
0x124: {  	v63 =	vperm.xlane v26, v25  }
0x125: {  	[tilespmem:s11], [sflag:$0x2] =	stream.indirect_vreg.gather [hbm4b:s12+s3], $0x80, v22, vm0, $0xb8;
	[tilespmem:$0x18180] =	vst v63  }
0x126: {  	v23 =	vadd.s32 v23, v63  }
0x127: {  	[tilespmem:s15], [sflag:$0x2] =	stream.indirect_vreg.gather [hbm4b:s14+s3], $0x80, v22, vm0, $0xb8;
	[tilespmem:$0x18180] =	vst v63  }
0x128: {  	_ = 	snop  }
0x129: {  	[tilespmem:s17], [sflag:$0x2] =	stream.indirect_vreg.gather [hbm4b:s16+s3], $0x80, v22, vm0, $0xb8;
	[tilespmem:$0x18180] =	vst v63  }
0x12a: {  	_ = 	snop  }
0x12b: {  	[tilespmem:s18], [sflag:$0x2] =	stream.indirect_vreg.gather [hbm4b:s7+s3], $0x80, v23, vm0, $0xb8;
	[tilespmem:$0x18180] =	vst v63  }
0x12c: {  	_ = 	snop  }
0x12d: {  	[tilespmem:s20], [sflag:$0x2] =	stream.indirect_vreg.gather [hbm4b:s4+s3], $0x80, v23, vm0, $0xb8;
	[tilespmem:$0x18180] =	vst v63  }
0x12e: {  	_ = 	snop  }
0x12f: {  	[tilespmem:s25], [sflag:$0x2] =	stream.indirect_vreg.gather [hbm4b:s6+s3], $0x80, v23, vm0, $0xb8;
	[tilespmem:$0x18180] =	vst v63  }
0x130: {  	_ = 	snop  }
0x131: {  	[tilespmem:s26], [sflag:$0x2] =	stream.indirect_vreg.gather [hbm4b:s8+s3], $0x80, v23, vm0, $0xb8;
	[tilespmem:$0x18180] =	vst v63  }
0x132: {  	_ = 	snop  }
0x133: {  	[tilespmem:s30], [sflag:$0x2] =	stream.indirect_vreg.gather [hbm4b:s10+s3], $0x80, v23, vm0, $0xb8;
	[tilespmem:$0x18180] =	vst v63  }
0x134: {  	_ = 	snop  }
0x135: {  	[tilespmem:s31], [sflag:$0x2] =	stream.indirect_vreg.gather [hbm4b:s12+s3], $0x80, v23, vm0, $0xb8;
	[tilespmem:$0x18180] =	vst v63  }
0x136: {  	s26 =	simm.s32 $0xF000  }
0x137: {  	[tilespmem:s26], [sflag:$0x2] =	stream.indirect_vreg.gather [hbm4b:s14+s3], $0x80, v23, vm0, $0xb8;
	[tilespmem:$0x18180] =	vst v63  }
0x138: {  	_ = 	snop  }
0x139: {  	[tilespmem:s5], [sflag:$0x2] =	stream.indirect_vreg.gather [hbm4b:s16+s3], $0x80, v23, vm0, $0xb8;
	[tilespmem:$0x18180] =	vst v63  }
0x13a: {  	_ =	swait.ge [sflag:s1], $0x8000  }
0x13b: {  	[sflag:s1] =	ssyncset.done $0x0  }
0x13c: {  	s30 =	simm.s32 $0x10000;
	s29 =	rddreg [dreg:$0x8];
	[sflag:s1] =	ssyncadd.s32 $0xFFFF8000  }
0x13d: {  	[hbm4b:s29+s3] =	stream.linear.scatter [tilespmem:s30], [sflag:$0x6], $0x8000, $0x38;
	[tilespmem:$0x18180] =	vst v63  }
0x13e: {  	_ =	swait.ge [sflag:s21], $0x8000  }
0x13f: {  	[sflag:s21] =	ssyncset.done $0x0  }
0x140: {  	s29 =	rddreg [dreg:$0x9];
	[sflag:s21] =	ssyncadd.s32 $0xFFFF8000  }
0x141: {  	[hbm4b:s29+s3] =	stream.linear.scatter [tilespmem:s3], [sflag:$0x4], $0x8000, $0x38;
	[tilespmem:$0x18180] =	vst v63  }
0x142: {  	_ =	swait.ge [sflag:s23], $0x8000  }
0x143: {  	[sflag:s23] =	ssyncset.done $0x0  }
0x144: {  	s29 =	rddreg [dreg:$0xa];
	[sflag:s23] =	ssyncadd.s32 $0xFFFF8000  }
0x145: {  	[hbm4b:s29+s3] =	stream.linear.scatter [tilespmem:s2], [sflag:$0x5], $0x8000, $0x38;
	[tilespmem:$0x18180] =	vst v63  }
0x146: {  	_ =	swait.ge [sflag:s28], $0x8000  }
0x147: {  	s31 =	rddreg [dreg:$0xb]  }
0x148: {  	s0 =	ssub.s32 $0x2, s31  }
0x149: {  	s29 =	sshrl.u32 s0, $0x1  }
0x14a: {  	s29 =	ssub.s32 s0, s29  }
0x14b: {  	[sflag:s28] =	ssyncset.done $0x0;
	s29 =	smax.u32 s29, $0x1  }
0x14c: {  	[sflag:s28] =	ssyncadd.s32 $0xFFFF8000;
	p0 =	sne.s32 s29, $0x1  }
.Ltmp0:
0x14d: {  	_ =	swait.ge [sflag:s22], $0x8000;
	(pc) =	sbr.rel @!p0 .LBB2_3-.Ltmp0, $4  }
0x14e: {  	[sflag:s22] =	ssyncset.done $0x0  }
0x14f: {  	[sflag:s22] =	ssyncadd.s32 $0xFFFF8000  }
0x150: {  	_ =	swait.ge [sflag:s24], $0x8000  }
0x151: {  	s0 =	simm.s32 $0x5;
	s29 =	sadd.s32 $0xFFFFFFFF, s29;
	[sflag:s24] =	ssyncset.done $0x0  }
0x152: {  	s1 =	simm.s32 $0x5;
	s28 =	simm.s32 $0x8000;
	s21 =	simm.s32 $0x10800  }
0x153: {  	s9 =	simm.s32 $0x12800;
	s11 =	simm.s32 $0x13000;
	s13 =	simm.s32 $0x13800  }
0x154: {  	s15 =	simm.s32 $0x14000;
	s17 =	simm.s32 $0x14800;
	s18 =	simm.s32 $0x15000  }
0x155: {  	s19 =	simm.s32 $0x15800;
	s20 =	simm.s32 $0x16000;
	s25 =	simm.s32 $0x16800  }
0x156: {  	s26 =	simm.s32 $0x17000;
	s31 =	simm.s32 $0x17800;
	s22 =	simm.s32 $0x1  }
.LBB2_2:
0x157: {  	[sflag:s1] =	ssyncadd.s32 $0xFFFF8000  }
0x158: {  	[tilespmem:$0x18000] =	vst v0  }
0x159: {  	[tilespmem:s3], [sflag:$0x1] =	stream.indirect_vreg.gather [hbm4b:s7+s3], $0x80, v1, vm0, $0xb8;
	[tilespmem:$0x18180] =	vst v63  }
0x15a: {  	s0 =	simm.s32 $0x800  }
0x15b: {  	[tilespmem:s0], [sflag:$0x1] =	stream.indirect_vreg.gather [hbm4b:s4+s3], $0x80, v1, vm0, $0xb8;
	[tilespmem:$0x18180] =	vst v63  }
0x15c: {  	s2 =	simm.s32 $0x1000  }
0x15d: {  	[tilespmem:s2], [sflag:$0x1] =	stream.indirect_vreg.gather [hbm4b:s6+s3], $0x80, v1, vm0, $0xb8;
	[tilespmem:$0x18180] =	vst v63  }
0x15e: {  	s5 =	simm.s32 $0x1800  }
0x15f: {  	[tilespmem:s5], [sflag:$0x1] =	stream.indirect_vreg.gather [hbm4b:s8+s3], $0x80, v1, vm0, $0xb8;
	[tilespmem:$0x18180] =	vst v63  }
0x160: {  	s23 =	simm.s32 $0x2000  }
0x161: {  	[tilespmem:s23], [sflag:$0x1] =	stream.indirect_vreg.gather [hbm4b:s10+s3], $0x80, v1, vm0, $0xb8;
	[tilespmem:$0x18180] =	vst v63  }
0x162: {  	s30 =	simm.s32 $0x2800  }
0x163: {  	[tilespmem:s30], [sflag:$0x1] =	stream.indirect_vreg.gather [hbm4b:s12+s3], $0x80, v1, vm0, $0xb8;
	[tilespmem:$0x18180] =	vst v63  }
0x164: {  	s30 =	simm.s32 $0x3000  }
0x165: {  	[tilespmem:s30], [sflag:$0x1] =	stream.indirect_vreg.gather [hbm4b:s14+s3], $0x80, v1, vm0, $0xb8;
	[tilespmem:$0x18180] =	vst v63  }
0x166: {  	s30 =	simm.s32 $0x3800  }
0x167: {  	[tilespmem:s30], [sflag:$0x1] =	stream.indirect_vreg.gather [hbm4b:s16+s3], $0x80, v1, vm0, $0xb8;
	[tilespmem:$0x18180] =	vst v63  }
0x168: {  	s30 =	simm.s32 $0x4000  }
0x169: {  	[tilespmem:s30], [sflag:$0x1] =	stream.indirect_vreg.gather [hbm4b:s7+s3], $0x80, v2, vm0, $0xb8;
	[tilespmem:$0x18180] =	vst v63  }
0x16a: {  	s30 =	simm.s32 $0x4800  }
0x16b: {  	[tilespmem:s30], [sflag:$0x1] =	stream.indirect_vreg.gather [hbm4b:s4+s3], $0x80, v2, vm0, $0xb8;
	[tilespmem:$0x18180] =	vst v63  }
0x16c: {  	s30 =	simm.s32 $0x5000  }
0x16d: {  	[tilespmem:s30], [sflag:$0x1] =	stream.indirect_vreg.gather [hbm4b:s6+s3], $0x80, v2, vm0, $0xb8;
	[tilespmem:$0x18180] =	vst v63  }
0x16e: {  	s30 =	simm.s32 $0x5800  }
0x16f: {  	[tilespmem:s30], [sflag:$0x1] =	stream.indirect_vreg.gather [hbm4b:s8+s3], $0x80, v2, vm0, $0xb8;
	[tilespmem:$0x18180] =	vst v63  }
0x170: {  	s30 =	simm.s32 $0x6000  }
0x171: {  	[tilespmem:s30], [sflag:$0x1] =	stream.indirect_vreg.gather [hbm4b:s10+s3], $0x80, v2, vm0, $0xb8;
	[tilespmem:$0x18180] =	vst v63  }
0x172: {  	s30 =	simm.s32 $0x6800  }
0x173: {  	[tilespmem:s30], [sflag:$0x1] =	stream.indirect_vreg.gather [hbm4b:s12+s3], $0x80, v2, vm0, $0xb8;
	[tilespmem:$0x18180] =	vst v63  }
0x174: {  	s30 =	simm.s32 $0x7000  }
0x175: {  	[tilespmem:s30], [sflag:$0x1] =	stream.indirect_vreg.gather [hbm4b:s14+s3], $0x80, v2, vm0, $0xb8;
	[tilespmem:$0x18180] =	vst v63  }
0x176: {  	s30 =	simm.s32 $0x7800  }
0x177: {  	[tilespmem:s30], [sflag:$0x1] =	stream.indirect_vreg.gather [hbm4b:s16+s3], $0x80, v2, vm0, $0xb8;
	[tilespmem:$0x18180] =	vst v63  }
0x178: {  	[tilespmem:$0x18080] =	vst v3  }
0x179: {  	[tilespmem:s28], [sflag:$0x2] =	stream.indirect_vreg.gather [hbm4b:s7+s3], $0x80, v4, vm0, $0xb8;
	[tilespmem:$0x18180] =	vst v63  }
0x17a: {  	s30 =	simm.s32 $0x8800  }
0x17b: {  	[tilespmem:s30], [sflag:$0x2] =	stream.indirect_vreg.gather [hbm4b:s4+s3], $0x80, v4, vm0, $0xb8;
	[tilespmem:$0x18180] =	vst v63  }
0x17c: {  	s30 =	simm.s32 $0x9000  }
0x17d: {  	[tilespmem:s30], [sflag:$0x2] =	stream.indirect_vreg.gather [hbm4b:s6+s3], $0x80, v4, vm0, $0xb8;
	[tilespmem:$0x18180] =	vst v63  }
0x17e: {  	s30 =	simm.s32 $0x9800  }
0x17f: {  	[tilespmem:s30], [sflag:$0x2] =	stream.indirect_vreg.gather [hbm4b:s8+s3], $0x80, v4, vm0, $0xb8;
	[tilespmem:$0x18180] =	vst v63  }
0x180: {  	s30 =	simm.s32 $0xA000  }
0x181: {  	[tilespmem:s30], [sflag:$0x2] =	stream.indirect_vreg.gather [hbm4b:s10+s3], $0x80, v4, vm0, $0xb8;
	[tilespmem:$0x18180] =	vst v63  }
0x182: {  	s30 =	simm.s32 $0xA800  }
0x183: {  	[tilespmem:s30], [sflag:$0x2] =	stream.indirect_vreg.gather [hbm4b:s12+s3], $0x80, v4, vm0, $0xb8;
	[tilespmem:$0x18180] =	vst v63  }
0x184: {  	s30 =	simm.s32 $0xB000  }
0x185: {  	[tilespmem:s30], [sflag:$0x2] =	stream.indirect_vreg.gather [hbm4b:s14+s3], $0x80, v4, vm0, $0xb8;
	[tilespmem:$0x18180] =	vst v63  }
0x186: {  	s30 =	simm.s32 $0xB800  }
0x187: {  	[tilespmem:s30], [sflag:$0x2] =	stream.indirect_vreg.gather [hbm4b:s16+s3], $0x80, v4, vm0, $0xb8;
	[tilespmem:$0x18180] =	vst v63  }
0x188: {  	s30 =	simm.s32 $0xC000  }
0x189: {  	[tilespmem:s30], [sflag:$0x2] =	stream.indirect_vreg.gather [hbm4b:s7+s3], $0x80, v5, vm0, $0xb8;
	[tilespmem:$0x18180] =	vst v63  }
0x18a: {  	s30 =	simm.s32 $0xC800  }
0x18b: {  	[tilespmem:s30], [sflag:$0x2] =	stream.indirect_vreg.gather [hbm4b:s4+s3], $0x80, v5, vm0, $0xb8;
	[tilespmem:$0x18180] =	vst v63  }
0x18c: {  	s30 =	simm.s32 $0xD000  }
0x18d: {  	[tilespmem:s30], [sflag:$0x2] =	stream.indirect_vreg.gather [hbm4b:s6+s3], $0x80, v5, vm0, $0xb8;
	[tilespmem:$0x18180] =	vst v63  }
0x18e: {  	s30 =	simm.s32 $0xD800  }
0x18f: {  	[tilespmem:s30], [sflag:$0x2] =	stream.indirect_vreg.gather [hbm4b:s8+s3], $0x80, v5, vm0, $0xb8;
	[tilespmem:$0x18180] =	vst v63  }
0x190: {  	s30 =	simm.s32 $0xE000  }
0x191: {  	[tilespmem:s30], [sflag:$0x2] =	stream.indirect_vreg.gather [hbm4b:s10+s3], $0x80, v5, vm0, $0xb8;
	[tilespmem:$0x18180] =	vst v63  }
0x192: {  	s30 =	simm.s32 $0xE800  }
0x193: {  	[tilespmem:s30], [sflag:$0x2] =	stream.indirect_vreg.gather [hbm4b:s12+s3], $0x80, v5, vm0, $0xb8;
	[tilespmem:$0x18180] =	vst v63  }
0x194: {  	s30 =	simm.s32 $0xF000  }
0x195: {  	[tilespmem:s30], [sflag:$0x2] =	stream.indirect_vreg.gather [hbm4b:s14+s3], $0x80, v5, vm0, $0xb8;
	[tilespmem:$0x18180] =	vst v63  }
0x196: {  	s30 =	simm.s32 $0xF800  }
0x197: {  	[tilespmem:s30], [sflag:$0x2] =	stream.indirect_vreg.gather [hbm4b:s16+s3], $0x80, v5, vm0, $0xb8;
	[tilespmem:$0x18180] =	vst v63  }
0x198: {  	s30 =	simm.s32 $0x10000;
	[tilespmem:$0x18100] =	vst v6  }
0x199: {  	[tilespmem:s30], [sflag:$0x3] =	stream.indirect_vreg.gather [hbm4b:s7+s3], $0x80, v7, vm0, $0xb8;
	[tilespmem:$0x18180] =	vst v63  }
0x19a: {  	_ = 	snop  }
0x19b: {  	[tilespmem:s21], [sflag:$0x3] =	stream.indirect_vreg.gather [hbm4b:s4+s3], $0x80, v7, vm0, $0xb8;
	[tilespmem:$0x18180] =	vst v63  }
0x19c: {  	s30 =	simm.s32 $0x11000  }
0x19d: {  	[tilespmem:s30], [sflag:$0x3] =	stream.indirect_vreg.gather [hbm4b:s6+s3], $0x80, v7, vm0, $0xb8;
	[tilespmem:$0x18180] =	vst v63  }
0x19e: {  	s30 =	simm.s32 $0x11800  }
0x19f: {  	[tilespmem:s30], [sflag:$0x3] =	stream.indirect_vreg.gather [hbm4b:s8+s3], $0x80, v7, vm0, $0xb8;
	[tilespmem:$0x18180] =	vst v63  }
0x1a0: {  	s30 =	simm.s32 $0x12000  }
0x1a1: {  	[tilespmem:s30], [sflag:$0x3] =	stream.indirect_vreg.gather [hbm4b:s10+s3], $0x80, v7, vm0, $0xb8;
	[tilespmem:$0x18180] =	vst v63  }
0x1a2: {  	_ = 	snop  }
0x1a3: {  	[tilespmem:s9], [sflag:$0x3] =	stream.indirect_vreg.gather [hbm4b:s12+s3], $0x80, v7, vm0, $0xb8;
	[tilespmem:$0x18180] =	vst v63  }
0x1a4: {  	_ = 	snop  }
0x1a5: {  	[tilespmem:s11], [sflag:$0x3] =	stream.indirect_vreg.gather [hbm4b:s14+s3], $0x80, v7, vm0, $0xb8;
	[tilespmem:$0x18180] =	vst v63  }
0x1a6: {  	_ = 	snop  }
0x1a7: {  	[tilespmem:s13], [sflag:$0x3] =	stream.indirect_vreg.gather [hbm4b:s16+s3], $0x80, v7, vm0, $0xb8;
	[tilespmem:$0x18180] =	vst v63  }
0x1a8: {  	_ = 	snop  }
0x1a9: {  	[tilespmem:s15], [sflag:$0x3] =	stream.indirect_vreg.gather [hbm4b:s7+s3], $0x80, v8, vm0, $0xb8;
	[tilespmem:$0x18180] =	vst v63  }
0x1aa: {  	_ = 	snop  }
0x1ab: {  	[tilespmem:s17], [sflag:$0x3] =	stream.indirect_vreg.gather [hbm4b:s4+s3], $0x80, v8, vm0, $0xb8;
	[tilespmem:$0x18180] =	vst v63  }
0x1ac: {  	_ = 	snop  }
0x1ad: {  	[tilespmem:s18], [sflag:$0x3] =	stream.indirect_vreg.gather [hbm4b:s6+s3], $0x80, v8, vm0, $0xb8;
	[tilespmem:$0x18180] =	vst v63  }
0x1ae: {  	_ = 	snop  }
0x1af: {  	[tilespmem:s19], [sflag:$0x3] =	stream.indirect_vreg.gather [hbm4b:s8+s3], $0x80, v8, vm0, $0xb8;
	[tilespmem:$0x18180] =	vst v63  }
0x1b0: {  	_ = 	snop  }
0x1b1: {  	[tilespmem:s20], [sflag:$0x3] =	stream.indirect_vreg.gather [hbm4b:s10+s3], $0x80, v8, vm0, $0xb8;
	[tilespmem:$0x18180] =	vst v63  }
0x1b2: {  	_ = 	snop  }
0x1b3: {  	[tilespmem:s25], [sflag:$0x3] =	stream.indirect_vreg.gather [hbm4b:s12+s3], $0x80, v8, vm0, $0xb8;
	[tilespmem:$0x18180] =	vst v63  }
0x1b4: {  	_ = 	snop  }
0x1b5: {  	[tilespmem:s26], [sflag:$0x3] =	stream.indirect_vreg.gather [hbm4b:s14+s3], $0x80, v8, vm0, $0xb8;
	[tilespmem:$0x18180] =	vst v63  }
0x1b6: {  	_ = 	snop  }
0x1b7: {  	[tilespmem:s31], [sflag:$0x3] =	stream.indirect_vreg.gather [hbm4b:s16+s3], $0x80, v8, vm0, $0xb8;
	[tilespmem:$0x18180] =	vst v63  }
0x1b8: {  	_ =	swait.ge [sflag:s22], $0x8000  }
0x1b9: {  	[sflag:s22] =	ssyncset.done $0x0  }
0x1ba: {  	s0 =	simm.s32 $0x4;
	s30 =	rddreg [dreg:$0x3];
	[sflag:s22] =	ssyncadd.s32 $0xFFFF8000  }
0x1bb: {  	[hbm4b:s30+s3] =	stream.linear.scatter [tilespmem:s3], [sflag:$0x4], $0x8000, $0x38;
	[tilespmem:$0x18180] =	vst v63  }
0x1bc: {  	_ =	swait.ge [sflag:s0], $0x8000  }
0x1bd: {  	[sflag:s0] =	ssyncset.done $0x0  }
0x1be: {  	[sflag:s0] =	ssyncadd.s32 $0xFFFF8000  }
0x1bf: {  	[tilespmem:$0x18000] =	vst v9  }
0x1c0: {  	[tilespmem:s3], [sflag:$0x1] =	stream.indirect_vreg.gather [hbm4b:s7+s3], $0x80, v10, vm0, $0xb8;
	[tilespmem:$0x18180] =	vst v63  }
0x1c1: {  	s24 =	simm.s32 $0x800  }
0x1c2: {  	[tilespmem:s24], [sflag:$0x1] =	stream.indirect_vreg.gather [hbm4b:s4+s3], $0x80, v10, vm0, $0xb8;
	[tilespmem:$0x18180] =	vst v63  }
0x1c3: {  	s2 =	simm.s32 $0x1000  }
0x1c4: {  	[tilespmem:s2], [sflag:$0x1] =	stream.indirect_vreg.gather [hbm4b:s6+s3], $0x80, v10, vm0, $0xb8;
	[tilespmem:$0x18180] =	vst v63  }
0x1c5: {  	s5 =	simm.s32 $0x1800  }
0x1c6: {  	[tilespmem:s5], [sflag:$0x1] =	stream.indirect_vreg.gather [hbm4b:s8+s3], $0x80, v10, vm0, $0xb8;
	[tilespmem:$0x18180] =	vst v63  }
0x1c7: {  	s23 =	simm.s32 $0x2000  }
0x1c8: {  	[tilespmem:s23], [sflag:$0x1] =	stream.indirect_vreg.gather [hbm4b:s10+s3], $0x80, v10, vm0, $0xb8;
	[tilespmem:$0x18180] =	vst v63  }
0x1c9: {  	s23 =	simm.s32 $0x2800  }
0x1ca: {  	[tilespmem:s23], [sflag:$0x1] =	stream.indirect_vreg.gather [hbm4b:s12+s3], $0x80, v10, vm0, $0xb8;
	[tilespmem:$0x18180] =	vst v63  }
0x1cb: {  	s24 =	simm.s32 $0x3000  }
0x1cc: {  	[tilespmem:s24], [sflag:$0x1] =	stream.indirect_vreg.gather [hbm4b:s14+s3], $0x80, v10, vm0, $0xb8;
	[tilespmem:$0x18180] =	vst v63  }
0x1cd: {  	s30 =	simm.s32 $0x3800  }
0x1ce: {  	[tilespmem:s30], [sflag:$0x1] =	stream.indirect_vreg.gather [hbm4b:s16+s3], $0x80, v10, vm0, $0xb8;
	[tilespmem:$0x18180] =	vst v63  }
0x1cf: {  	s5 =	simm.s32 $0x4000  }
0x1d0: {  	[tilespmem:s5], [sflag:$0x1] =	stream.indirect_vreg.gather [hbm4b:s7+s3], $0x80, v11, vm0, $0xb8;
	[tilespmem:$0x18180] =	vst v63  }
0x1d1: {  	s23 =	simm.s32 $0x4800  }
0x1d2: {  	[tilespmem:s23], [sflag:$0x1] =	stream.indirect_vreg.gather [hbm4b:s4+s3], $0x80, v11, vm0, $0xb8;
	[tilespmem:$0x18180] =	vst v63  }
0x1d3: {  	s24 =	simm.s32 $0x5000  }
0x1d4: {  	[tilespmem:s24], [sflag:$0x1] =	stream.indirect_vreg.gather [hbm4b:s6+s3], $0x80, v11, vm0, $0xb8;
	[tilespmem:$0x18180] =	vst v63  }
0x1d5: {  	s30 =	simm.s32 $0x5800  }
0x1d6: {  	[tilespmem:s30], [sflag:$0x1] =	stream.indirect_vreg.gather [hbm4b:s8+s3], $0x80, v11, vm0, $0xb8;
	[tilespmem:$0x18180] =	vst v63  }
0x1d7: {  	s5 =	simm.s32 $0x6000  }
0x1d8: {  	[tilespmem:s5], [sflag:$0x1] =	stream.indirect_vreg.gather [hbm4b:s10+s3], $0x80, v11, vm0, $0xb8;
	[tilespmem:$0x18180] =	vst v63  }
0x1d9: {  	s23 =	simm.s32 $0x6800  }
0x1da: {  	[tilespmem:s23], [sflag:$0x1] =	stream.indirect_vreg.gather [hbm4b:s12+s3], $0x80, v11, vm0, $0xb8;
	[tilespmem:$0x18180] =	vst v63  }
0x1db: {  	s24 =	simm.s32 $0x7000  }
0x1dc: {  	[tilespmem:s24], [sflag:$0x1] =	stream.indirect_vreg.gather [hbm4b:s14+s3], $0x80, v11, vm0, $0xb8;
	[tilespmem:$0x18180] =	vst v63  }
0x1dd: {  	s30 =	simm.s32 $0x7800;
	s24 =	simm.s32 $0x2  }
0x1de: {  	[tilespmem:s30], [sflag:$0x1] =	stream.indirect_vreg.gather [hbm4b:s16+s3], $0x80, v11, vm0, $0xb8;
	[tilespmem:$0x18180] =	vst v63  }
0x1df: {  	_ =	swait.ge [sflag:s24], $0x8000  }
0x1e0: {  	[sflag:s24] =	ssyncset.done $0x0  }
0x1e1: {  	s2 =	rddreg [dreg:$0x4];
	[sflag:s24] =	ssyncadd.s32 $0xFFFF8000  }
0x1e2: {  	[hbm4b:s2+s3] =	stream.linear.scatter [tilespmem:s28], [sflag:$0x5], $0x8000, $0x38;
	[tilespmem:$0x18180] =	vst v63  }
0x1e3: {  	_ =	swait.ge [sflag:s1], $0x8000  }
0x1e4: {  	[sflag:s1] =	ssyncset.done $0x0  }
0x1e5: {  	[sflag:s1] =	ssyncadd.s32 $0xFFFF8000  }
0x1e6: {  	[tilespmem:$0x18080] =	vst v12  }
0x1e7: {  	[tilespmem:s28], [sflag:$0x2] =	stream.indirect_vreg.gather [hbm4b:s7+s3], $0x80, v13, vm0, $0xb8;
	[tilespmem:$0x18180] =	vst v63  }
0x1e8: {  	s5 =	simm.s32 $0x8800  }
0x1e9: {  	[tilespmem:s5], [sflag:$0x2] =	stream.indirect_vreg.gather [hbm4b:s4+s3], $0x80, v13, vm0, $0xb8;
	[tilespmem:$0x18180] =	vst v63  }
0x1ea: {  	s23 =	simm.s32 $0x9000  }
0x1eb: {  	[tilespmem:s23], [sflag:$0x2] =	stream.indirect_vreg.gather [hbm4b:s6+s3], $0x80, v13, vm0, $0xb8;
	[tilespmem:$0x18180] =	vst v63  }
0x1ec: {  	s30 =	simm.s32 $0x9800  }
0x1ed: {  	[tilespmem:s30], [sflag:$0x2] =	stream.indirect_vreg.gather [hbm4b:s8+s3], $0x80, v13, vm0, $0xb8;
	[tilespmem:$0x18180] =	vst v63  }
0x1ee: {  	s5 =	simm.s32 $0xA000  }
0x1ef: {  	[tilespmem:s5], [sflag:$0x2] =	stream.indirect_vreg.gather [hbm4b:s10+s3], $0x80, v13, vm0, $0xb8;
	[tilespmem:$0x18180] =	vst v63  }
0x1f0: {  	s23 =	simm.s32 $0xA800  }
0x1f1: {  	[tilespmem:s23], [sflag:$0x2] =	stream.indirect_vreg.gather [hbm4b:s12+s3], $0x80, v13, vm0, $0xb8;
	[tilespmem:$0x18180] =	vst v63  }
0x1f2: {  	s30 =	simm.s32 $0xB000  }
0x1f3: {  	[tilespmem:s30], [sflag:$0x2] =	stream.indirect_vreg.gather [hbm4b:s14+s3], $0x80, v13, vm0, $0xb8;
	[tilespmem:$0x18180] =	vst v63  }
0x1f4: {  	s5 =	simm.s32 $0xB800  }
0x1f5: {  	[tilespmem:s5], [sflag:$0x2] =	stream.indirect_vreg.gather [hbm4b:s16+s3], $0x80, v13, vm0, $0xb8;
	[tilespmem:$0x18180] =	vst v63  }
0x1f6: {  	s23 =	simm.s32 $0xC000  }
0x1f7: {  	[tilespmem:s23], [sflag:$0x2] =	stream.indirect_vreg.gather [hbm4b:s7+s3], $0x80, v14, vm0, $0xb8;
	[tilespmem:$0x18180] =	vst v63  }
0x1f8: {  	s30 =	simm.s32 $0xC800  }
0x1f9: {  	[tilespmem:s30], [sflag:$0x2] =	stream.indirect_vreg.gather [hbm4b:s4+s3], $0x80, v14, vm0, $0xb8;
	[tilespmem:$0x18180] =	vst v63  }
0x1fa: {  	s5 =	simm.s32 $0xD000  }
0x1fb: {  	[tilespmem:s5], [sflag:$0x2] =	stream.indirect_vreg.gather [hbm4b:s6+s3], $0x80, v14, vm0, $0xb8;
	[tilespmem:$0x18180] =	vst v63  }
0x1fc: {  	s23 =	simm.s32 $0xD800  }
0x1fd: {  	[tilespmem:s23], [sflag:$0x2] =	stream.indirect_vreg.gather [hbm4b:s8+s3], $0x80, v14, vm0, $0xb8;
	[tilespmem:$0x18180] =	vst v63  }
0x1fe: {  	s30 =	simm.s32 $0xE000  }
0x1ff: {  	[tilespmem:s30], [sflag:$0x2] =	stream.indirect_vreg.gather [hbm4b:s10+s3], $0x80, v14, vm0, $0xb8;
	[tilespmem:$0x18180] =	vst v63  }
0x200: {  	s5 =	simm.s32 $0xE800  }
0x201: {  	[tilespmem:s5], [sflag:$0x2] =	stream.indirect_vreg.gather [hbm4b:s12+s3], $0x80, v14, vm0, $0xb8;
	[tilespmem:$0x18180] =	vst v63  }
0x202: {  	s23 =	simm.s32 $0xF000  }
0x203: {  	[tilespmem:s23], [sflag:$0x2] =	stream.indirect_vreg.gather [hbm4b:s14+s3], $0x80, v14, vm0, $0xb8;
	[tilespmem:$0x18180] =	vst v63  }
0x204: {  	s30 =	simm.s32 $0xF800;
	s23 =	simm.s32 $0x3  }
0x205: {  	[tilespmem:s30], [sflag:$0x2] =	stream.indirect_vreg.gather [hbm4b:s16+s3], $0x80, v14, vm0, $0xb8;
	[tilespmem:$0x18180] =	vst v63  }
0x206: {  	_ =	swait.ge [sflag:s23], $0x8000  }
0x207: {  	[sflag:s23] =	ssyncset.done $0x0  }
0x208: {  	s5 =	simm.s32 $0x10000;
	s2 =	rddreg [dreg:$0x5];
	[sflag:s23] =	ssyncadd.s32 $0xFFFF8000  }
0x209: {  	[hbm4b:s2+s3] =	stream.linear.scatter [tilespmem:s5], [sflag:$0x6], $0x8000, $0x38;
	[tilespmem:$0x18180] =	vst v63  }
0x20a: {  	s2 =	simm.s32 $0x6  }
0x20b: {  	_ =	swait.ge [sflag:s2], $0x8000  }
0x20c: {  	[sflag:s2] =	ssyncset.done $0x0  }
0x20d: {  	[sflag:s2] =	ssyncadd.s32 $0xFFFF8000  }
0x20e: {  	[tilespmem:$0x18100] =	vst v15  }
0x20f: {  	[tilespmem:s5], [sflag:$0x3] =	stream.indirect_vreg.gather [hbm4b:s7+s3], $0x80, v16, vm0, $0xb8;
	[tilespmem:$0x18180] =	vst v63  }
0x210: {  	_ = 	snop  }
0x211: {  	[tilespmem:s21], [sflag:$0x3] =	stream.indirect_vreg.gather [hbm4b:s4+s3], $0x80, v16, vm0, $0xb8;
	[tilespmem:$0x18180] =	vst v63  }
0x212: {  	s30 =	simm.s32 $0x11000  }
0x213: {  	[tilespmem:s30], [sflag:$0x3] =	stream.indirect_vreg.gather [hbm4b:s6+s3], $0x80, v16, vm0, $0xb8;
	[tilespmem:$0x18180] =	vst v63  }
0x214: {  	s30 =	simm.s32 $0x11800  }
0x215: {  	[tilespmem:s30], [sflag:$0x3] =	stream.indirect_vreg.gather [hbm4b:s8+s3], $0x80, v16, vm0, $0xb8;
	[tilespmem:$0x18180] =	vst v63  }
0x216: {  	s30 =	simm.s32 $0x12000  }
0x217: {  	[tilespmem:s30], [sflag:$0x3] =	stream.indirect_vreg.gather [hbm4b:s10+s3], $0x80, v16, vm0, $0xb8;
	[tilespmem:$0x18180] =	vst v63  }
0x218: {  	_ = 	snop  }
0x219: {  	[tilespmem:s9], [sflag:$0x3] =	stream.indirect_vreg.gather [hbm4b:s12+s3], $0x80, v16, vm0, $0xb8;
	[tilespmem:$0x18180] =	vst v63  }
0x21a: {  	_ = 	snop  }
0x21b: {  	[tilespmem:s11], [sflag:$0x3] =	stream.indirect_vreg.gather [hbm4b:s14+s3], $0x80, v16, vm0, $0xb8;
	[tilespmem:$0x18180] =	vst v63  }
0x21c: {  	_ = 	snop  }
0x21d: {  	[tilespmem:s13], [sflag:$0x3] =	stream.indirect_vreg.gather [hbm4b:s16+s3], $0x80, v16, vm0, $0xb8;
	[tilespmem:$0x18180] =	vst v63  }
0x21e: {  	_ = 	snop  }
0x21f: {  	[tilespmem:s15], [sflag:$0x3] =	stream.indirect_vreg.gather [hbm4b:s7+s3], $0x80, v17, vm0, $0xb8;
	[tilespmem:$0x18180] =	vst v63  }
0x220: {  	_ = 	snop  }
0x221: {  	[tilespmem:s17], [sflag:$0x3] =	stream.indirect_vreg.gather [hbm4b:s4+s3], $0x80, v17, vm0, $0xb8;
	[tilespmem:$0x18180] =	vst v63  }
0x222: {  	_ = 	snop  }
0x223: {  	[tilespmem:s18], [sflag:$0x3] =	stream.indirect_vreg.gather [hbm4b:s6+s3], $0x80, v17, vm0, $0xb8;
	[tilespmem:$0x18180] =	vst v63  }
0x224: {  	_ = 	snop  }
0x225: {  	[tilespmem:s19], [sflag:$0x3] =	stream.indirect_vreg.gather [hbm4b:s8+s3], $0x80, v17, vm0, $0xb8;
	[tilespmem:$0x18180] =	vst v63  }
0x226: {  	_ = 	snop  }
0x227: {  	[tilespmem:s20], [sflag:$0x3] =	stream.indirect_vreg.gather [hbm4b:s10+s3], $0x80, v17, vm0, $0xb8;
	[tilespmem:$0x18180] =	vst v63  }
0x228: {  	_ = 	snop  }
0x229: {  	[tilespmem:s25], [sflag:$0x3] =	stream.indirect_vreg.gather [hbm4b:s12+s3], $0x80, v17, vm0, $0xb8;
	[tilespmem:$0x18180] =	vst v63  }
0x22a: {  	_ = 	snop  }
0x22b: {  	[tilespmem:s26], [sflag:$0x3] =	stream.indirect_vreg.gather [hbm4b:s14+s3], $0x80, v17, vm0, $0xb8;
	[tilespmem:$0x18180] =	vst v63  }
0x22c: {  	_ = 	snop  }
0x22d: {  	[tilespmem:s31], [sflag:$0x3] =	stream.indirect_vreg.gather [hbm4b:s16+s3], $0x80, v17, vm0, $0xb8;
	[tilespmem:$0x18180] =	vst v63  }
0x22e: {  	_ =	swait.ge [sflag:s22], $0x8000  }
0x22f: {  	[sflag:s22] =	ssyncset.done $0x0  }
0x230: {  	s5 =	rddreg [dreg:$0x6];
	[sflag:s22] =	ssyncadd.s32 $0xFFFF8000  }
0x231: {  	[hbm4b:s5+s3] =	stream.linear.scatter [tilespmem:s3], [sflag:$0x4], $0x8000, $0x38;
	[tilespmem:$0x18180] =	vst v63  }
0x232: {  	_ =	swait.ge [sflag:s0], $0x8000  }
0x233: {  	[sflag:s0] =	ssyncset.done $0x0  }
0x234: {  	[sflag:s0] =	ssyncadd.s32 $0xFFFF8000  }
0x235: {  	[tilespmem:$0x18000] =	vst v18  }
0x236: {  	[tilespmem:s3], [sflag:$0x1] =	stream.indirect_vreg.gather [hbm4b:s7+s3], $0x80, v19, vm0, $0xb8;
	[tilespmem:$0x18180] =	vst v63  }
0x237: {  	s30 =	simm.s32 $0x800  }
0x238: {  	[tilespmem:s30], [sflag:$0x1] =	stream.indirect_vreg.gather [hbm4b:s4+s3], $0x80, v19, vm0, $0xb8;
	[tilespmem:$0x18180] =	vst v63  }
0x239: {  	s30 =	simm.s32 $0x1000  }
0x23a: {  	[tilespmem:s30], [sflag:$0x1] =	stream.indirect_vreg.gather [hbm4b:s6+s3], $0x80, v19, vm0, $0xb8;
	[tilespmem:$0x18180] =	vst v63  }
0x23b: {  	s30 =	simm.s32 $0x1800  }
0x23c: {  	[tilespmem:s30], [sflag:$0x1] =	stream.indirect_vreg.gather [hbm4b:s8+s3], $0x80, v19, vm0, $0xb8;
	[tilespmem:$0x18180] =	vst v63  }
0x23d: {  	s30 =	simm.s32 $0x2000  }
0x23e: {  	[tilespmem:s30], [sflag:$0x1] =	stream.indirect_vreg.gather [hbm4b:s10+s3], $0x80, v19, vm0, $0xb8;
	[tilespmem:$0x18180] =	vst v63  }
0x23f: {  	s30 =	simm.s32 $0x2800  }
0x240: {  	[tilespmem:s30], [sflag:$0x1] =	stream.indirect_vreg.gather [hbm4b:s12+s3], $0x80, v19, vm0, $0xb8;
	[tilespmem:$0x18180] =	vst v63  }
0x241: {  	s30 =	simm.s32 $0x3000  }
0x242: {  	[tilespmem:s30], [sflag:$0x1] =	stream.indirect_vreg.gather [hbm4b:s14+s3], $0x80, v19, vm0, $0xb8;
	[tilespmem:$0x18180] =	vst v63  }
0x243: {  	s30 =	simm.s32 $0x3800  }
0x244: {  	[tilespmem:s30], [sflag:$0x1] =	stream.indirect_vreg.gather [hbm4b:s16+s3], $0x80, v19, vm0, $0xb8;
	[tilespmem:$0x18180] =	vst v63  }
0x245: {  	s30 =	simm.s32 $0x4000  }
0x246: {  	[tilespmem:s30], [sflag:$0x1] =	stream.indirect_vreg.gather [hbm4b:s7+s3], $0x80, v20, vm0, $0xb8;
	[tilespmem:$0x18180] =	vst v63  }
0x247: {  	s30 =	simm.s32 $0x4800  }
0x248: {  	[tilespmem:s30], [sflag:$0x1] =	stream.indirect_vreg.gather [hbm4b:s4+s3], $0x80, v20, vm0, $0xb8;
	[tilespmem:$0x18180] =	vst v63  }
0x249: {  	s30 =	simm.s32 $0x5000  }
0x24a: {  	[tilespmem:s30], [sflag:$0x1] =	stream.indirect_vreg.gather [hbm4b:s6+s3], $0x80, v20, vm0, $0xb8;
	[tilespmem:$0x18180] =	vst v63  }
0x24b: {  	s30 =	simm.s32 $0x5800  }
0x24c: {  	[tilespmem:s30], [sflag:$0x1] =	stream.indirect_vreg.gather [hbm4b:s8+s3], $0x80, v20, vm0, $0xb8;
	[tilespmem:$0x18180] =	vst v63  }
0x24d: {  	s30 =	simm.s32 $0x6000  }
0x24e: {  	[tilespmem:s30], [sflag:$0x1] =	stream.indirect_vreg.gather [hbm4b:s10+s3], $0x80, v20, vm0, $0xb8;
	[tilespmem:$0x18180] =	vst v63  }
0x24f: {  	s30 =	simm.s32 $0x6800  }
0x250: {  	[tilespmem:s30], [sflag:$0x1] =	stream.indirect_vreg.gather [hbm4b:s12+s3], $0x80, v20, vm0, $0xb8;
	[tilespmem:$0x18180] =	vst v63  }
0x251: {  	s30 =	simm.s32 $0x7000  }
0x252: {  	[tilespmem:s30], [sflag:$0x1] =	stream.indirect_vreg.gather [hbm4b:s14+s3], $0x80, v20, vm0, $0xb8;
	[tilespmem:$0x18180] =	vst v63  }
0x253: {  	s30 =	simm.s32 $0x7800  }
0x254: {  	[tilespmem:s30], [sflag:$0x1] =	stream.indirect_vreg.gather [hbm4b:s16+s3], $0x80, v20, vm0, $0xb8;
	[tilespmem:$0x18180] =	vst v63  }
0x255: {  	_ =	swait.ge [sflag:s24], $0x8000  }
0x256: {  	[sflag:s24] =	ssyncset.done $0x0  }
0x257: {  	s5 =	rddreg [dreg:$0x7];
	[sflag:s24] =	ssyncadd.s32 $0xFFFF8000  }
0x258: {  	[hbm4b:s5+s3] =	stream.linear.scatter [tilespmem:s28], [sflag:$0x5], $0x8000, $0x38;
	[tilespmem:$0x18180] =	vst v63  }
0x259: {  	_ =	swait.ge [sflag:s1], $0x8000  }
0x25a: {  	[sflag:s1] =	ssyncset.done $0x0  }
0x25b: {  	[sflag:s1] =	ssyncadd.s32 $0xFFFF8000  }
0x25c: {  	[tilespmem:$0x18080] =	vst v21  }
0x25d: {  	[tilespmem:s28], [sflag:$0x2] =	stream.indirect_vreg.gather [hbm4b:s7+s3], $0x80, v22, vm0, $0xb8;
	[tilespmem:$0x18180] =	vst v63  }
0x25e: {  	s30 =	simm.s32 $0x8800  }
0x25f: {  	[tilespmem:s30], [sflag:$0x2] =	stream.indirect_vreg.gather [hbm4b:s4+s3], $0x80, v22, vm0, $0xb8;
	[tilespmem:$0x18180] =	vst v63  }
0x260: {  	s30 =	simm.s32 $0x9000  }
0x261: {  	[tilespmem:s30], [sflag:$0x2] =	stream.indirect_vreg.gather [hbm4b:s6+s3], $0x80, v22, vm0, $0xb8;
	[tilespmem:$0x18180] =	vst v63  }
0x262: {  	s30 =	simm.s32 $0x9800  }
0x263: {  	[tilespmem:s30], [sflag:$0x2] =	stream.indirect_vreg.gather [hbm4b:s8+s3], $0x80, v22, vm0, $0xb8;
	[tilespmem:$0x18180] =	vst v63  }
0x264: {  	s30 =	simm.s32 $0xA000  }
0x265: {  	[tilespmem:s30], [sflag:$0x2] =	stream.indirect_vreg.gather [hbm4b:s10+s3], $0x80, v22, vm0, $0xb8;
	[tilespmem:$0x18180] =	vst v63  }
0x266: {  	s30 =	simm.s32 $0xA800  }
0x267: {  	[tilespmem:s30], [sflag:$0x2] =	stream.indirect_vreg.gather [hbm4b:s12+s3], $0x80, v22, vm0, $0xb8;
	[tilespmem:$0x18180] =	vst v63  }
0x268: {  	s30 =	simm.s32 $0xB000  }
0x269: {  	[tilespmem:s30], [sflag:$0x2] =	stream.indirect_vreg.gather [hbm4b:s14+s3], $0x80, v22, vm0, $0xb8;
	[tilespmem:$0x18180] =	vst v63  }
0x26a: {  	s30 =	simm.s32 $0xB800  }
0x26b: {  	[tilespmem:s30], [sflag:$0x2] =	stream.indirect_vreg.gather [hbm4b:s16+s3], $0x80, v22, vm0, $0xb8;
	[tilespmem:$0x18180] =	vst v63  }
0x26c: {  	s30 =	simm.s32 $0xC000  }
0x26d: {  	[tilespmem:s30], [sflag:$0x2] =	stream.indirect_vreg.gather [hbm4b:s7+s3], $0x80, v23, vm0, $0xb8;
	[tilespmem:$0x18180] =	vst v63  }
0x26e: {  	s30 =	simm.s32 $0xC800  }
0x26f: {  	[tilespmem:s30], [sflag:$0x2] =	stream.indirect_vreg.gather [hbm4b:s4+s3], $0x80, v23, vm0, $0xb8;
	[tilespmem:$0x18180] =	vst v63  }
0x270: {  	s30 =	simm.s32 $0xD000  }
0x271: {  	[tilespmem:s30], [sflag:$0x2] =	stream.indirect_vreg.gather [hbm4b:s6+s3], $0x80, v23, vm0, $0xb8;
	[tilespmem:$0x18180] =	vst v63  }
0x272: {  	s30 =	simm.s32 $0xD800  }
0x273: {  	[tilespmem:s30], [sflag:$0x2] =	stream.indirect_vreg.gather [hbm4b:s8+s3], $0x80, v23, vm0, $0xb8;
	[tilespmem:$0x18180] =	vst v63  }
0x274: {  	s30 =	simm.s32 $0xE000  }
0x275: {  	[tilespmem:s30], [sflag:$0x2] =	stream.indirect_vreg.gather [hbm4b:s10+s3], $0x80, v23, vm0, $0xb8;
	[tilespmem:$0x18180] =	vst v63  }
0x276: {  	s30 =	simm.s32 $0xE800  }
0x277: {  	[tilespmem:s30], [sflag:$0x2] =	stream.indirect_vreg.gather [hbm4b:s12+s3], $0x80, v23, vm0, $0xb8;
	[tilespmem:$0x18180] =	vst v63  }
0x278: {  	s30 =	simm.s32 $0xF000  }
0x279: {  	[tilespmem:s30], [sflag:$0x2] =	stream.indirect_vreg.gather [hbm4b:s14+s3], $0x80, v23, vm0, $0xb8;
	[tilespmem:$0x18180] =	vst v63  }
0x27a: {  	s30 =	simm.s32 $0xF800  }
0x27b: {  	[tilespmem:s30], [sflag:$0x2] =	stream.indirect_vreg.gather [hbm4b:s16+s3], $0x80, v23, vm0, $0xb8;
	[tilespmem:$0x18180] =	vst v63  }
0x27c: {  	_ =	swait.ge [sflag:s23], $0x8000  }
0x27d: {  	[sflag:s23] =	ssyncset.done $0x0  }
0x27e: {  	s5 =	rddreg [dreg:$0x8];
	[sflag:s23] =	ssyncadd.s32 $0xFFFF8000;
	s23 =	simm.s32 $0x10000  }
0x27f: {  	[hbm4b:s5+s3] =	stream.linear.scatter [tilespmem:s23], [sflag:$0x6], $0x8000, $0x38;
	[tilespmem:$0x18180] =	vst v63  }
0x280: {  	_ =	swait.ge [sflag:s22], $0x8000  }
0x281: {  	[sflag:s22] =	ssyncset.done $0x0  }
0x282: {  	s5 =	rddreg [dreg:$0x9];
	[sflag:s22] =	ssyncadd.s32 $0xFFFF8000  }
0x283: {  	[hbm4b:s5+s3] =	stream.linear.scatter [tilespmem:s3], [sflag:$0x4], $0x8000, $0x38;
	[tilespmem:$0x18180] =	vst v63  }
0x284: {  	_ =	swait.ge [sflag:s24], $0x8000  }
0x285: {  	[sflag:s24] =	ssyncset.done $0x0  }
0x286: {  	s23 =	rddreg [dreg:$0xa];
	[sflag:s24] =	ssyncadd.s32 $0xFFFF8000  }
0x287: {  	[hbm4b:s23+s3] =	stream.linear.scatter [tilespmem:s28], [sflag:$0x5], $0x8000, $0x38;
	[tilespmem:$0x18180] =	vst v63  }
0x288: {  	_ =	swait.ge [sflag:s2], $0x8000  }
0x289: {  	[sflag:s2] =	ssyncset.done $0x0  }
0x28a: {  	p0 =	sne.s32 s29, $0x1;
	[sflag:s2] =	ssyncadd.s32 $0xFFFF8000  }
.Ltmp1:
0x28b: {  	_ =	swait.ge [sflag:s0], $0x8000;
	(pc) =	sbr.rel @p0 .LBB2_2-.Ltmp1, $4  }
0x28c: {  	[sflag:s0] =	ssyncset.done $0x0  }
0x28d: {  	[sflag:s0] =	ssyncadd.s32 $0xFFFF8000  }
0x28e: {  	_ =	swait.ge [sflag:s1], $0x8000  }
0x28f: {  	s29 =	sadd.s32 $0xFFFFFFFF, s29;
	s0 =	simm.s32 $0x5;
	[sflag:s1] =	ssyncset.done $0x0  }
.LBB2_3:
0x290: {  	[sflag:s0] =	ssyncadd.s32 $0xFFFF8000  }
0x291: {  	_ =	sfence.sel $0x180000  }
0x292: {  	[bflag:$0x0] =	sbarrier.arrive $0xFFFF  }
0x293: {  	_ =	strace $0x90000047  }
0x294: {  	s31 =	stileid.u32;
	[bflag:$0x2] =	sbarrier.arrive $0xFFFF  }
0x295: {  	p0 =	sne.s32 s31, $0x0;
	s0 =	rddreg [dreg:$0x2]  }
0x296: {  	s0 =	sadd.s32 @!p0 $0x100000, s0  }
0x297: {  	[sflag:s0] =	ssyncadd.tile.s32 @!p0 $0x1;
	_ =	shalt  }
.Lfunc_end2:
_tile_overlayer_lowered:
.L_overlay_start_2:
0x298: {  	(tag) =	ssettag $0x2  }
0x299: {  	s0 =	rddreg [dreg:$0x0];
	s2 =	stileid.u32  }
0x29a: {  	s1 =	rddreg [dreg:$0x1];
	p0 =	sne.s32 s2, $0x0  }
0x29b: {  	s3 =	rddreg [dreg:$0x2];
	[bflag:$0x3] =	sbarrier.arrive $0xFFFF;
	s2 =	simm.s32 @!p0 $0x1C07  }
0x29c: {  	[timem:s3], [sflag:s2] =	dma.local @!p0 [hbm:s0], s1  }
0x29d: {  	s0 =	simm.s32 @!p0 $0x7  }
0x29e: {  	_ =	swait.ge @!p0 [sflag:s0], s1  }
0x29f: {  	s1 =	ssub.s32 @!p0 $0x0, s1;
	[sflag:s0] =	ssyncset.done @!p0 $0x0  }
0x2a0: {  	[sflag:s0] =	ssyncadd.s32 @!p0 s1  }
0x2a1: {  	[bflag:$0x3] =	sbarrier.arrive $0xFFFF  }
0x2a2: {  	_ =	shalt  }

</sc_bundles>
